<compile_context>
chip_gen: v7x
topology: tpu7x:2x2x1
jax: 0.10.2.dev20260603
libtpu: 0.0.44.dev20260713+nightly
codegen_flags: <defaults>
</compile_context>

<pallas_src>
import functools

import jax
import jax.numpy as jnp
from jax import lax
from jax.experimental import pallas as pl
from jax.experimental.pallas import tpu as pltpu
from jax.experimental.pallas import tpu_sc as plsc

_B, _Q, _C, _T = 8, 900, 91, 25
_ALPHA = 0.25
_N = _B * _T
_CB = 13
_CHUNK_OFFS = tuple(range(0, 192, 16)) + (184,)


def _ce_body(logits_ref, src_ref, lab_ref, out_ref, tcq_ref):
    i = pl.program_id(0)

    @pl.when(i == 0)
    def _build_map():
        qi = lax.broadcasted_iota(jnp.int32, (_B, _Q), 1)
        tcq = jnp.full((_B, _Q), -1, jnp.int32)
        for t in range(_T):
            m = qi == src_ref[:, t:t + 1]
            tcq = jnp.where(m, lab_ref[:, t:t + 1], tcq)
        tcq_ref[...] = tcq
        out_ref[...] = jnp.zeros((1, 128), jnp.float32)

    tcq = tcq_ref[...]
    base = i * _CB
    acc = jnp.zeros((_B, _Q), jnp.float32)
    for c in range(_CB):
        x = logits_ref[c]
        ispos = tcq == base + c
        e = jnp.exp(-jnp.abs(x))
        onep = 1.0 + e
        sp = jnp.maximum(x, 0.0) + jnp.log(onep)
        v = jnp.where(ispos == (x >= 0.0), e, 1.0)
        k = jnp.where(ispos, 0.5, 0.8660254037844386)
        vk = v * k
        spx = sp - jnp.where(ispos, x, 0.0)
        u = 1.0 / onep
        acc = acc + (vk * vk) * (spx * (u * u))

    out_ref[...] += jnp.sum(acc) + jnp.zeros((1, 128), jnp.float32)


def _ce_call(logits_t, src_i, lab_i):
    return pl.pallas_call(
        _ce_body,
        grid=(_C // _CB,),
        in_specs=[
            pl.BlockSpec((_CB, _B, _Q), lambda i: (i, 0, 0)),
            pl.BlockSpec((_B, _T), lambda i: (0, 0)),
            pl.BlockSpec((_B, _T), lambda i: (0, 0)),
        ],
        out_specs=pl.BlockSpec((1, 128), lambda i: (0, 0)),
        out_shape=jax.ShapeDtypeStruct((1, 128), jnp.float32),
        scratch_shapes=[pltpu.VMEM((_B, _Q), jnp.int32)],
    )(logits_t, src_i, lab_i)


def _box_body(pred_hbm, tgt_hbm, src_hbm, out_hbm, pred_v, tgt_v, idx_v, out_v, sem):
    wid = lax.axis_index("s") * 2 + lax.axis_index("c")

    @pl.when(wid == 0)
    def _():
        cp1 = pltpu.async_copy(pred_hbm, pred_v, sem)
        cp2 = pltpu.async_copy(tgt_hbm, tgt_v, sem)
        cp3 = pltpu.async_copy(src_hbm, idx_v, sem)
        cp1.wait()
        cp2.wait()
        cp3.wait()
        iot = lax.broadcasted_iota(jnp.int32, (16,), 0)

        def _chunk(j, carry):
            l1_acc, gi_acc = carry
            t_vec = iot + j * 16
            valid = t_vec < _N
            b_vec = jnp.zeros((16,), jnp.int32)
            for k in range(1, _B):
                b_vec = b_vec + jnp.where(t_vec >= k * _T, 1, 0)
            tt_vec = t_vec - b_vec * _T
            q_vec = plsc.load_gather(idx_v, [b_vec, tt_vec], mask=valid)

            def _g(ref, c, col):
                cc = jnp.full((16,), c, jnp.int32)
                return plsc.load_gather(ref, [b_vec, cc, col], mask=valid)

            scx = _g(pred_v, 0, q_vec)
            scy = _g(pred_v, 1, q_vec)
            sw = _g(pred_v, 2, q_vec)
            sh = _g(pred_v, 3, q_vec)
            tcx = _g(tgt_v, 0, tt_vec)
            tcy = _g(tgt_v, 1, tt_vec)
            tw = _g(tgt_v, 2, tt_vec)
            th = _g(tgt_v, 3, tt_vec)

            l1 = (jnp.abs(scx - tcx) + jnp.abs(scy - tcy)
                  + jnp.abs(sw - tw) + jnp.abs(sh - th))

            sx0 = scx - 0.5 * sw
            sy0 = scy - 0.5 * sh
            sx1 = scx + 0.5 * sw
            sy1 = scy + 0.5 * sh
            tx0 = tcx - 0.5 * tw
            ty0 = tcy - 0.5 * th
            tx1 = tcx + 0.5 * tw
            ty1 = tcy + 0.5 * th

            area1 = (sx1 - sx0) * (sy1 - sy0)
            area2 = (tx1 - tx0) * (ty1 - ty0)
            wi = jnp.maximum(jnp.minimum(sx1, tx1) - jnp.maximum(sx0, tx0), 0.0)
            hi = jnp.maximum(jnp.minimum(sy1, ty1) - jnp.maximum(sy0, ty0), 0.0)
            inter = wi * hi
            union = area1 + area2 - inter
            iou = inter / union
            we = jnp.maximum(jnp.maximum(sx1, tx1) - jnp.minimum(sx0, tx0), 0.0)
            he = jnp.maximum(jnp.maximum(sy1, ty1) - jnp.minimum(sy0, ty0), 0.0)
            areae = we * he
            giou = iou - (areae - union) / areae

            l1_acc = l1_acc + jnp.where(valid, l1, 0.0)
            gi_acc = gi_acc + jnp.where(valid, 1.0 - giou, 0.0)
            return l1_acc, gi_acc

        l1_acc, gi_acc = lax.fori_loop(
            0, 13, _chunk,
            (jnp.zeros((16,), jnp.float32), jnp.zeros((16,), jnp.float32)),
        )
        inv_nb = 1.0 / jnp.float32(_N)
        l1_s = jnp.sum(l1_acc) * inv_nb
        gi_s = jnp.sum(gi_acc) * inv_nb
        out_v[...] = jnp.where(iot == 0, l1_s, jnp.where(iot == 1, gi_s, 0.0))
        pltpu.sync_copy(out_v, out_hbm)


@functools.cache
def _get_box_call():
    mesh = plsc.VectorSubcoreMesh(core_axis_name="c", subcore_axis_name="s")
    return pl.kernel(
        _box_body,
        mesh=mesh,
        compiler_params=pltpu.CompilerParams(needs_layout_passes=False),
        out_type=jax.ShapeDtypeStruct((16,), jnp.float32),
        scratch_types=[
            pltpu.VMEM((_B, 4, _Q), jnp.float32),
            pltpu.VMEM((_B, 4, _T), jnp.float32),
            pltpu.VMEM((_B, _T), jnp.int32),
            pltpu.VMEM((16,), jnp.float32),
            pltpu.SemaphoreType.DMA,
        ],
    )


def kernel(pred_logits, pred_boxes, tgt_boxes, tgt_labels, src_idx):
    src_i = src_idx.astype(jnp.int32)
    lab_i = tgt_labels.astype(jnp.int32)

    ce = _ce_call(jnp.transpose(pred_logits, (2, 0, 1)), src_i, lab_i)
    box = _get_box_call()(
        jnp.transpose(pred_boxes, (0, 2, 1)),
        jnp.transpose(tgt_boxes, (0, 2, 1)),
        src_i,
    )

    return jnp.stack([ce[0, 0] / jnp.float32(_N), box[0], box[1]])

# --- scband reference (transcript-rebuilt; emitter-appended) ---
"""Pipeline reference for scband-set-criterion-72267119722732 (READ-ONLY COPY).

The authoritative reference and input builder live on the scoring server;
editing this copy changes nothing except your own understanding.
"""

import jax, jax.numpy as jnp
import numpy as np

NUM_CLASSES = 91
FOCAL_ALPHA = 0.25
GAMMA = 2.0


def box_cxcywh_to_xyxy(b):
    cx, cy, w, h = b[..., 0], b[..., 1], b[..., 2], b[..., 3]
    return jnp.stack([cx - 0.5 * w, cy - 0.5 * h, cx + 0.5 * w, cy + 0.5 * h], axis=-1)


def elementwise_giou(b1, b2):
    # equivalent to diag(generalized_box_iou(b1, b2)) in the torch reference
    area1 = (b1[:, 2] - b1[:, 0]) * (b1[:, 3] - b1[:, 1])
    area2 = (b2[:, 2] - b2[:, 0]) * (b2[:, 3] - b2[:, 1])
    lt = jnp.maximum(b1[:, :2], b2[:, :2])
    rb = jnp.minimum(b1[:, 2:], b2[:, 2:])
    wh = jnp.clip(rb - lt, 0.0, None)
    inter = wh[:, 0] * wh[:, 1]
    union = area1 + area2 - inter
    iou = inter / union
    lte = jnp.minimum(b1[:, :2], b2[:, :2])
    rbe = jnp.maximum(b1[:, 2:], b2[:, 2:])
    whe = jnp.clip(rbe - lte, 0.0, None)
    area = whe[:, 0] * whe[:, 1]
    return iou - (area - union) / area


def setup_inputs(seed: int = 0) -> dict:
    key = jax.random.key(seed)
    k1, k2, k3, k4, k5 = jax.random.split(key, 5)
    B, Q, C, T = 8, 900, NUM_CLASSES, 25
    return {
        "pred_logits": jax.random.normal(k1, (B, Q, C), dtype=jnp.float32),
        "pred_boxes": jax.random.uniform(k2, (B, Q, 4), dtype=jnp.float32),
        "tgt_boxes": jax.random.uniform(k3, (B, T, 4), dtype=jnp.float32),
        "tgt_labels": jax.random.randint(k4, (B, T), 0, C),
        "src_idx": jax.random.randint(k5, (B, T), 0, Q),
    }


def reference(pred_logits, pred_boxes, tgt_boxes, tgt_labels, src_idx):
    B, Q, C = pred_logits.shape
    T = tgt_labels.shape[1]
    num_boxes = jnp.maximum(jnp.float32(B * T), 1.0)
    batch_idx = jnp.repeat(jnp.arange(B), T)
    flat_src = src_idx.reshape(-1)
    # loss_labels: build target class map, scatter matched labels, one-hot, sigmoid focal loss
    target_classes = jnp.full((B, Q), C, dtype=jnp.int32)
    target_classes = target_classes.at[batch_idx, flat_src].set(tgt_labels.reshape(-1).astype(jnp.int32))
    onehot = jax.nn.one_hot(target_classes, C + 1, dtype=pred_logits.dtype)[:, :, :-1]
    prob = jax.nn.sigmoid(pred_logits)
    ce = jnp.clip(pred_logits, 0.0, None) - pred_logits * onehot + jnp.log1p(jnp.exp(-jnp.abs(pred_logits)))
    p_t = prob * onehot + (1.0 - prob) * (1.0 - onehot)
    loss = ce * (1.0 - p_t) ** GAMMA
    alpha_t = FOCAL_ALPHA * onehot + (1.0 - FOCAL_ALPHA) * (1.0 - onehot)
    loss = alpha_t * loss
    loss_ce = loss.mean(axis=1).sum() / num_boxes * Q
    # loss_boxes: gather matched predictions, L1 + GIoU
    src_boxes = pred_boxes[batch_idx, flat_src]
    target_boxes = tgt_boxes.reshape(-1, 4)
    loss_bbox = jnp.abs(src_boxes - target_boxes).sum() / num_boxes
    giou = elementwise_giou(box_cxcywh_to_xyxy(src_boxes), box_cxcywh_to_xyxy(target_boxes))
    loss_giou = (1.0 - giou).sum() / num_boxes
    return jnp.stack([loss_ce, loss_bbox, loss_giou])

if __name__ == "__main__":
    import jax
    _d = setup_inputs()
    print(jax.jit(kernel)(*tuple(_d.values())))

</pallas_src>

<mosaic_0001>
#map = affine_map<(d0, d1) -> (0, 0, 0)>
#map1 = affine_map<(d0, d1) -> (0, 0)>
#map2 = affine_map<(d0, d1) -> (0)>
module attributes {stable_mosaic.version = 14 : i64} {
  func.func @_box_body(%arg0: i32, %arg1: i32, %arg2: memref<8x4x900xf32, #tpu.memory_space<hbm>>, %arg3: memref<8x4x25xf32, #tpu.memory_space<hbm>>, %arg4: memref<8x25xi32, #tpu.memory_space<hbm>>, %arg5: memref<16xf32, #tpu.memory_space<hbm>>, %arg6: memref<8x4x900xf32, #tpu.memory_space<vmem>>, %arg7: memref<8x4x25xf32, #tpu.memory_space<vmem>>, %arg8: memref<8x25xi32, #tpu.memory_space<vmem>>, %arg9: memref<16xf32, #tpu.memory_space<vmem>>, %arg10: memref<!tpu.dma_semaphore, #tpu.memory_space<semaphore_mem>>) attributes {dimension_semantics = [#tpu.dimension_semantics<core_parallel>, #tpu.dimension_semantics<subcore_parallel>], iteration_bounds = array<i64: 2, 16>, scalar_prefetch = 0 : i64, scratch_operands = 5 : i64, tpu.core_type = #tpu.core_type<sc_vector_subcore>, window_params = [{transform_indices = #map}, {transform_indices = #map}, {transform_indices = #map1}, {transform_indices = #map2}]} {
    %mul3A = arith.constant 2 : i32
    %mul3A_0 = arith.muli %arg1, %mul3A : i32
    %add3A = arith.addi %mul3A_0, %arg0 : i32
    %eq3A = arith.constant 0 : i32
    %eq3A_1 = arith.cmpi eq, %add3A, %eq3A : i32
    %convert_element_type3A = arith.extui %eq3A_1 : i1 to i32
    %cond3A = arith.constant 0 : i32
    %cond3A_2 = arith.cmpi ne, %convert_element_type3A, %cond3A : i32
    scf.if %cond3A_2 {
      tpu.enqueue_dma source(%arg2 : memref<8x4x900xf32, #tpu.memory_space<hbm>>) target(%arg6 : memref<8x4x900xf32, #tpu.memory_space<vmem>>) target_semaphore(%arg10 : memref<!tpu.dma_semaphore, #tpu.memory_space<semaphore_mem>>)
      tpu.enqueue_dma source(%arg3 : memref<8x4x25xf32, #tpu.memory_space<hbm>>) target(%arg7 : memref<8x4x25xf32, #tpu.memory_space<vmem>>) target_semaphore(%arg10 : memref<!tpu.dma_semaphore, #tpu.memory_space<semaphore_mem>>)
      tpu.enqueue_dma source(%arg4 : memref<8x25xi32, #tpu.memory_space<hbm>>) target(%arg8 : memref<8x25xi32, #tpu.memory_space<vmem>>) target_semaphore(%arg10 : memref<!tpu.dma_semaphore, #tpu.memory_space<semaphore_mem>>)
      tpu.wait_dma2 semaphore(%arg10 : memref<!tpu.dma_semaphore, #tpu.memory_space<semaphore_mem>>) src(%arg2 : memref<8x4x900xf32, #tpu.memory_space<hbm>>) dst(%arg6 : memref<8x4x900xf32, #tpu.memory_space<vmem>>)
      tpu.wait_dma2 semaphore(%arg10 : memref<!tpu.dma_semaphore, #tpu.memory_space<semaphore_mem>>) src(%arg3 : memref<8x4x25xf32, #tpu.memory_space<hbm>>) dst(%arg7 : memref<8x4x25xf32, #tpu.memory_space<vmem>>)
      tpu.wait_dma2 semaphore(%arg10 : memref<!tpu.dma_semaphore, #tpu.memory_space<semaphore_mem>>) src(%arg4 : memref<8x25xi32, #tpu.memory_space<hbm>>) dst(%arg8 : memref<8x25xi32, #tpu.memory_space<vmem>>)
      %iota3A = tpu.iota {dimensions = array<i32: 0>} : vector<16xi32>
      %broadcast_in_dim3A = arith.constant 0.000000e+00 : f32
      %broadcast_in_dim3A_3 = vector.broadcast %broadcast_in_dim3A : f32 to vector<16xf32>
      %broadcast_in_dim3A_4 = arith.constant 0.000000e+00 : f32
      %broadcast_in_dim3A_5 = vector.broadcast %broadcast_in_dim3A_4 : f32 to vector<16xf32>
      %scan3A = arith.constant 0 : i32
      %scan3A_6 = arith.constant 13 : i32
      %scan3A_7 = arith.addi %scan3A, %scan3A_6 : i32
      %scan3A_8 = arith.constant 1 : i32
      %scan3A_9:2 = scf.for %scan3A_33 = %scan3A to %scan3A_7 step %scan3A_8 iter_args(%scan3A_34 = %broadcast_in_dim3A_3, %scan3A_35 = %broadcast_in_dim3A_5) -> (vector<16xf32>, vector<16xf32>)  : i32 {
        %mul3A_36 = arith.constant 16 : i32
        %mul3A_37 = arith.muli %scan3A_33, %mul3A_36 : i32
        %add3A_38 = vector.broadcast %mul3A_37 : i32 to vector<16xi32>
        %add3A_39 = arith.addi %iota3A, %add3A_38 : vector<16xi32>
        %lt3A = arith.constant 200 : i32
        %lt3A_40 = vector.broadcast %lt3A : i32 to vector<16xi32>
        %lt3A_41 = arith.cmpi slt, %add3A_39, %lt3A_40 : vector<16xi32>
        %broadcast_in_dim3A_42 = arith.constant 0 : i32
        %broadcast_in_dim3A_43 = vector.broadcast %broadcast_in_dim3A_42 : i32 to vector<16xi32>
        %ge3A = arith.constant 25 : i32
        %ge3A_44 = vector.broadcast %ge3A : i32 to vector<16xi32>
        %ge3A_45 = arith.cmpi sge, %add3A_39, %ge3A_44 : vector<16xi32>
        %jit3A_46 = arith.constant 1 : i32
        %jit3A_47 = arith.constant 0 : i32
        %broadcast_in_dim3A_48 = vector.broadcast %jit3A_46 : i32 to vector<16xi32>
        %broadcast_in_dim3A_49 = vector.broadcast %jit3A_47 : i32 to vector<16xi32>
        %select_n3A_50 = arith.select %ge3A_45, %broadcast_in_dim3A_48, %broadcast_in_dim3A_49 : vector<16xi1>, vector<16xi32>
        %add3A_51 = arith.addi %broadcast_in_dim3A_43, %select_n3A_50 : vector<16xi32>
        %ge3A_52 = arith.constant 50 : i32
        %ge3A_53 = vector.broadcast %ge3A_52 : i32 to vector<16xi32>
        %ge3A_54 = arith.cmpi sge, %add3A_39, %ge3A_53 : vector<16xi32>
        %jit3A_55 = arith.constant 1 : i32
        %jit3A_56 = arith.constant 0 : i32
        %broadcast_in_dim3A_57 = vector.broadcast %jit3A_55 : i32 to vector<16xi32>
        %broadcast_in_dim3A_58 = vector.broadcast %jit3A_56 : i32 to vector<16xi32>
        %select_n3A_59 = arith.select %ge3A_54, %broadcast_in_dim3A_57, %broadcast_in_dim3A_58 : vector<16xi1>, vector<16xi32>
        %add3A_60 = arith.addi %add3A_51, %select_n3A_59 : vector<16xi32>
        %ge3A_61 = arith.constant 75 : i32
        %ge3A_62 = vector.broadcast %ge3A_61 : i32 to vector<16xi32>
        %ge3A_63 = arith.cmpi sge, %add3A_39, %ge3A_62 : vector<16xi32>
        %jit3A_64 = arith.constant 1 : i32
        %jit3A_65 = arith.constant 0 : i32
        %broadcast_in_dim3A_66 = vector.broadcast %jit3A_64 : i32 to vector<16xi32>
        %broadcast_in_dim3A_67 = vector.broadcast %jit3A_65 : i32 to vector<16xi32>
        %select_n3A_68 = arith.select %ge3A_63, %broadcast_in_dim3A_66, %broadcast_in_dim3A_67 : vector<16xi1>, vector<16xi32>
        %add3A_69 = arith.addi %add3A_60, %select_n3A_68 : vector<16xi32>
        %ge3A_70 = arith.constant 100 : i32
        %ge3A_71 = vector.broadcast %ge3A_70 : i32 to vector<16xi32>
        %ge3A_72 = arith.cmpi sge, %add3A_39, %ge3A_71 : vector<16xi32>
        %jit3A_73 = arith.constant 1 : i32
        %jit3A_74 = arith.constant 0 : i32
        %broadcast_in_dim3A_75 = vector.broadcast %jit3A_73 : i32 to vector<16xi32>
        %broadcast_in_dim3A_76 = vector.broadcast %jit3A_74 : i32 to vector<16xi32>
        %select_n3A_77 = arith.select %ge3A_72, %broadcast_in_dim3A_75, %broadcast_in_dim3A_76 : vector<16xi1>, vector<16xi32>
        %add3A_78 = arith.addi %add3A_69, %select_n3A_77 : vector<16xi32>
        %ge3A_79 = arith.constant 125 : i32
        %ge3A_80 = vector.broadcast %ge3A_79 : i32 to vector<16xi32>
        %ge3A_81 = arith.cmpi sge, %add3A_39, %ge3A_80 : vector<16xi32>
        %jit3A_82 = arith.constant 1 : i32
        %jit3A_83 = arith.constant 0 : i32
        %broadcast_in_dim3A_84 = vector.broadcast %jit3A_82 : i32 to vector<16xi32>
        %broadcast_in_dim3A_85 = vector.broadcast %jit3A_83 : i32 to vector<16xi32>
        %select_n3A_86 = arith.select %ge3A_81, %broadcast_in_dim3A_84, %broadcast_in_dim3A_85 : vector<16xi1>, vector<16xi32>
        %add3A_87 = arith.addi %add3A_78, %select_n3A_86 : vector<16xi32>
        %ge3A_88 = arith.constant 150 : i32
        %ge3A_89 = vector.broadcast %ge3A_88 : i32 to vector<16xi32>
        %ge3A_90 = arith.cmpi sge, %add3A_39, %ge3A_89 : vector<16xi32>
        %jit3A_91 = arith.constant 1 : i32
        %jit3A_92 = arith.constant 0 : i32
        %broadcast_in_dim3A_93 = vector.broadcast %jit3A_91 : i32 to vector<16xi32>
        %broadcast_in_dim3A_94 = vector.broadcast %jit3A_92 : i32 to vector<16xi32>
        %select_n3A_95 = arith.select %ge3A_90, %broadcast_in_dim3A_93, %broadcast_in_dim3A_94 : vector<16xi1>, vector<16xi32>
        %add3A_96 = arith.addi %add3A_87, %select_n3A_95 : vector<16xi32>
        %ge3A_97 = arith.constant 175 : i32
        %ge3A_98 = vector.broadcast %ge3A_97 : i32 to vector<16xi32>
        %ge3A_99 = arith.cmpi sge, %add3A_39, %ge3A_98 : vector<16xi32>
        %jit3A_100 = arith.constant 1 : i32
        %jit3A_101 = arith.constant 0 : i32
        %broadcast_in_dim3A_102 = vector.broadcast %jit3A_100 : i32 to vector<16xi32>
        %broadcast_in_dim3A_103 = vector.broadcast %jit3A_101 : i32 to vector<16xi32>
        %select_n3A_104 = arith.select %ge3A_99, %broadcast_in_dim3A_102, %broadcast_in_dim3A_103 : vector<16xi1>, vector<16xi32>
        %add3A_105 = arith.addi %add3A_96, %select_n3A_104 : vector<16xi32>
        %mul3A_106 = arith.constant 25 : i32
        %mul3A_107 = vector.broadcast %mul3A_106 : i32 to vector<16xi32>
        %mul3A_108 = arith.muli %add3A_105, %mul3A_107 : vector<16xi32>
        %sub3A = arith.subi %add3A_39, %mul3A_108 : vector<16xi32>
        %gather3A = tpu.vector_load_idx %arg8[%add3A_105, %sub3A] masked %lt3A_41 : memref<8x25xi32, #tpu.memory_space<vmem>>[vector<16xi32>, vector<16xi32>], vector<16xi32>, vector<16xi1>
        %broadcast_in_dim3A_109 = arith.constant 0 : i32
        %broadcast_in_dim3A_110 = vector.broadcast %broadcast_in_dim3A_109 : i32 to vector<16xi32>
        %gather3A_111 = tpu.vector_load_idx %arg6[%add3A_105, %broadcast_in_dim3A_110, %gather3A] masked %lt3A_41 : memref<8x4x900xf32, #tpu.memory_space<vmem>>[vector<16xi32>, vector<16xi32>, vector<16xi32>], vector<16xf32>, vector<16xi1>
        %broadcast_in_dim3A_112 = arith.constant 1 : i32
        %broadcast_in_dim3A_113 = vector.broadcast %broadcast_in_dim3A_112 : i32 to vector<16xi32>
        %gather3A_114 = tpu.vector_load_idx %arg6[%add3A_105, %broadcast_in_dim3A_113, %gather3A] masked %lt3A_41 : memref<8x4x900xf32, #tpu.memory_space<vmem>>[vector<16xi32>, vector<16xi32>, vector<16xi32>], vector<16xf32>, vector<16xi1>
        %broadcast_in_dim3A_115 = arith.constant 2 : i32
        %broadcast_in_dim3A_116 = vector.broadcast %broadcast_in_dim3A_115 : i32 to vector<16xi32>
        %gather3A_117 = tpu.vector_load_idx %arg6[%add3A_105, %broadcast_in_dim3A_116, %gather3A] masked %lt3A_41 : memref<8x4x900xf32, #tpu.memory_space<vmem>>[vector<16xi32>, vector<16xi32>, vector<16xi32>], vector<16xf32>, vector<16xi1>
        %broadcast_in_dim3A_118 = arith.constant 3 : i32
        %broadcast_in_dim3A_119 = vector.broadcast %broadcast_in_dim3A_118 : i32 to vector<16xi32>
        %gather3A_120 = tpu.vector_load_idx %arg6[%add3A_105, %broadcast_in_dim3A_119, %gather3A] masked %lt3A_41 : memref<8x4x900xf32, #tpu.memory_space<vmem>>[vector<16xi32>, vector<16xi32>, vector<16xi32>], vector<16xf32>, vector<16xi1>
        %broadcast_in_dim3A_121 = arith.constant 0 : i32
        %broadcast_in_dim3A_122 = vector.broadcast %broadcast_in_dim3A_121 : i32 to vector<16xi32>
        %gather3A_123 = tpu.vector_load_idx %arg7[%add3A_105, %broadcast_in_dim3A_122, %sub3A] masked %lt3A_41 : memref<8x4x25xf32, #tpu.memory_space<vmem>>[vector<16xi32>, vector<16xi32>, vector<16xi32>], vector<16xf32>, vector<16xi1>
        %broadcast_in_dim3A_124 = arith.constant 1 : i32
        %broadcast_in_dim3A_125 = vector.broadcast %broadcast_in_dim3A_124 : i32 to vector<16xi32>
        %gather3A_126 = tpu.vector_load_idx %arg7[%add3A_105, %broadcast_in_dim3A_125, %sub3A] masked %lt3A_41 : memref<8x4x25xf32, #tpu.memory_space<vmem>>[vector<16xi32>, vector<16xi32>, vector<16xi32>], vector<16xf32>, vector<16xi1>
        %broadcast_in_dim3A_127 = arith.constant 2 : i32
        %broadcast_in_dim3A_128 = vector.broadcast %broadcast_in_dim3A_127 : i32 to vector<16xi32>
        %gather3A_129 = tpu.vector_load_idx %arg7[%add3A_105, %broadcast_in_dim3A_128, %sub3A] masked %lt3A_41 : memref<8x4x25xf32, #tpu.memory_space<vmem>>[vector<16xi32>, vector<16xi32>, vector<16xi32>], vector<16xf32>, vector<16xi1>
        %broadcast_in_dim3A_130 = arith.constant 3 : i32
        %broadcast_in_dim3A_131 = vector.broadcast %broadcast_in_dim3A_130 : i32 to vector<16xi32>
        %gather3A_132 = tpu.vector_load_idx %arg7[%add3A_105, %broadcast_in_dim3A_131, %sub3A] masked %lt3A_41 : memref<8x4x25xf32, #tpu.memory_space<vmem>>[vector<16xi32>, vector<16xi32>, vector<16xi32>], vector<16xf32>, vector<16xi1>
        %sub3A_133 = arith.subf %gather3A_111, %gather3A_123 : vector<16xf32>
        %abs3A = math.absf %sub3A_133 : vector<16xf32>
        %sub3A_134 = arith.subf %gather3A_114, %gather3A_126 : vector<16xf32>
        %abs3A_135 = math.absf %sub3A_134 : vector<16xf32>
        %add3A_136 = arith.addf %abs3A, %abs3A_135 : vector<16xf32>
        %sub3A_137 = arith.subf %gather3A_117, %gather3A_129 : vector<16xf32>
        %abs3A_138 = math.absf %sub3A_137 : vector<16xf32>
        %add3A_139 = arith.addf %add3A_136, %abs3A_138 : vector<16xf32>
        %sub3A_140 = arith.subf %gather3A_120, %gather3A_132 : vector<16xf32>
        %abs3A_141 = math.absf %sub3A_140 : vector<16xf32>
        %add3A_142 = arith.addf %add3A_139, %abs3A_141 : vector<16xf32>
        %mul3A_143 = arith.constant 5.000000e-01 : f32
        %mul3A_144 = vector.broadcast %mul3A_143 : f32 to vector<16xf32>
        %mul3A_145 = arith.mulf %mul3A_144, %gather3A_117 : vector<16xf32>
        %sub3A_146 = arith.subf %gather3A_111, %mul3A_145 : vector<16xf32>
        %mul3A_147 = arith.constant 5.000000e-01 : f32
        %mul3A_148 = vector.broadcast %mul3A_147 : f32 to vector<16xf32>
        %mul3A_149 = arith.mulf %mul3A_148, %gather3A_120 : vector<16xf32>
        %sub3A_150 = arith.subf %gather3A_114, %mul3A_149 : vector<16xf32>
        %mul3A_151 = arith.constant 5.000000e-01 : f32
        %mul3A_152 = vector.broadcast %mul3A_151 : f32 to vector<16xf32>
        %mul3A_153 = arith.mulf %mul3A_152, %gather3A_117 : vector<16xf32>
        %add3A_154 = arith.addf %gather3A_111, %mul3A_153 : vector<16xf32>
        %mul3A_155 = arith.constant 5.000000e-01 : f32
        %mul3A_156 = vector.broadcast %mul3A_155 : f32 to vector<16xf32>
        %mul3A_157 = arith.mulf %mul3A_156, %gather3A_120 : vector<16xf32>
        %add3A_158 = arith.addf %gather3A_114, %mul3A_157 : vector<16xf32>
        %mul3A_159 = arith.constant 5.000000e-01 : f32
        %mul3A_160 = vector.broadcast %mul3A_159 : f32 to vector<16xf32>
        %mul3A_161 = arith.mulf %mul3A_160, %gather3A_129 : vector<16xf32>
        %sub3A_162 = arith.subf %gather3A_123, %mul3A_161 : vector<16xf32>
        %mul3A_163 = arith.constant 5.000000e-01 : f32
        %mul3A_164 = vector.broadcast %mul3A_163 : f32 to vector<16xf32>
        %mul3A_165 = arith.mulf %mul3A_164, %gather3A_132 : vector<16xf32>
        %sub3A_166 = arith.subf %gather3A_126, %mul3A_165 : vector<16xf32>
        %mul3A_167 = arith.constant 5.000000e-01 : f32
        %mul3A_168 = vector.broadcast %mul3A_167 : f32 to vector<16xf32>
        %mul3A_169 = arith.mulf %mul3A_168, %gather3A_129 : vector<16xf32>
        %add3A_170 = arith.addf %gather3A_123, %mul3A_169 : vector<16xf32>
        %mul3A_171 = arith.constant 5.000000e-01 : f32
        %mul3A_172 = vector.broadcast %mul3A_171 : f32 to vector<16xf32>
        %mul3A_173 = arith.mulf %mul3A_172, %gather3A_132 : vector<16xf32>
        %add3A_174 = arith.addf %gather3A_126, %mul3A_173 : vector<16xf32>
        %sub3A_175 = arith.subf %add3A_154, %sub3A_146 : vector<16xf32>
        %sub3A_176 = arith.subf %add3A_158, %sub3A_150 : vector<16xf32>
        %mul3A_177 = arith.mulf %sub3A_175, %sub3A_176 : vector<16xf32>
        %sub3A_178 = arith.subf %add3A_170, %sub3A_162 : vector<16xf32>
        %sub3A_179 = arith.subf %add3A_174, %sub3A_166 : vector<16xf32>
        %mul3A_180 = arith.mulf %sub3A_178, %sub3A_179 : vector<16xf32>
        %min3A = arith.minimumf %add3A_154, %add3A_170 : vector<16xf32>
        %max3A = arith.maximumf %sub3A_146, %sub3A_162 : vector<16xf32>
        %sub3A_181 = arith.subf %min3A, %max3A : vector<16xf32>
        %max3A_182 = arith.constant 0.000000e+00 : f32
        %max3A_183 = vector.broadcast %max3A_182 : f32 to vector<16xf32>
        %max3A_184 = arith.maximumf %sub3A_181, %max3A_183 : vector<16xf32>
        %min3A_185 = arith.minimumf %add3A_158, %add3A_174 : vector<16xf32>
        %max3A_186 = arith.maximumf %sub3A_150, %sub3A_166 : vector<16xf32>
        %sub3A_187 = arith.subf %min3A_185, %max3A_186 : vector<16xf32>
        %max3A_188 = arith.constant 0.000000e+00 : f32
        %max3A_189 = vector.broadcast %max3A_188 : f32 to vector<16xf32>
        %max3A_190 = arith.maximumf %sub3A_187, %max3A_189 : vector<16xf32>
        %mul3A_191 = arith.mulf %max3A_184, %max3A_190 : vector<16xf32>
        %add3A_192 = arith.addf %mul3A_177, %mul3A_180 : vector<16xf32>
        %sub3A_193 = arith.subf %add3A_192, %mul3A_191 : vector<16xf32>
        %div3A_194 = arith.divf %mul3A_191, %sub3A_193 : vector<16xf32>
        %max3A_195 = arith.maximumf %add3A_154, %add3A_170 : vector<16xf32>
        %min3A_196 = arith.minimumf %sub3A_146, %sub3A_162 : vector<16xf32>
        %sub3A_197 = arith.subf %max3A_195, %min3A_196 : vector<16xf32>
        %max3A_198 = arith.constant 0.000000e+00 : f32
        %max3A_199 = vector.broadcast %max3A_198 : f32 to vector<16xf32>
        %max3A_200 = arith.maximumf %sub3A_197, %max3A_199 : vector<16xf32>
        %max3A_201 = arith.maximumf %add3A_158, %add3A_174 : vector<16xf32>
        %min3A_202 = arith.minimumf %sub3A_150, %sub3A_166 : vector<16xf32>
        %sub3A_203 = arith.subf %max3A_201, %min3A_202 : vector<16xf32>
        %max3A_204 = arith.constant 0.000000e+00 : f32
        %max3A_205 = vector.broadcast %max3A_204 : f32 to vector<16xf32>
        %max3A_206 = arith.maximumf %sub3A_203, %max3A_205 : vector<16xf32>
        %mul3A_207 = arith.mulf %max3A_200, %max3A_206 : vector<16xf32>
        %sub3A_208 = arith.subf %mul3A_207, %sub3A_193 : vector<16xf32>
        %div3A_209 = arith.divf %sub3A_208, %mul3A_207 : vector<16xf32>
        %sub3A_210 = arith.subf %div3A_194, %div3A_209 : vector<16xf32>
        %jit3A_211 = arith.constant 0.000000e+00 : f32
        %broadcast_in_dim3A_212 = vector.broadcast %jit3A_211 : f32 to vector<16xf32>
        %select_n3A_213 = arith.select %lt3A_41, %add3A_142, %broadcast_in_dim3A_212 : vector<16xi1>, vector<16xf32>
        %add3A_214 = arith.addf %scan3A_34, %select_n3A_213 : vector<16xf32>
        %sub3A_215 = arith.constant 1.000000e+00 : f32
        %sub3A_216 = vector.broadcast %sub3A_215 : f32 to vector<16xf32>
        %sub3A_217 = arith.subf %sub3A_216, %sub3A_210 : vector<16xf32>
        %jit3A_218 = arith.constant 0.000000e+00 : f32
        %broadcast_in_dim3A_219 = vector.broadcast %jit3A_218 : f32 to vector<16xf32>
        %select_n3A_220 = arith.select %lt3A_41, %sub3A_217, %broadcast_in_dim3A_219 : vector<16xi1>, vector<16xf32>
        %add3A_221 = arith.addf %scan3A_35, %select_n3A_220 : vector<16xf32>
        scf.yield %add3A_214, %add3A_221 : vector<16xf32>, vector<16xf32>
      }
      %scan3A_10 = arith.constant 13 : i32
      %div3A = arith.constant 1.000000e+00 : f32
      %div3A_11 = arith.constant 2.000000e+02 : f32
      %div3A_12 = arith.divf %div3A, %div3A_11 : f32
      %reduce_sum3A = arith.constant true
      %reduce_sum3A_13 = vector.broadcast %reduce_sum3A : i1 to vector<16xi1>
      %reduce_sum3A_14 = tpu.scan <sum>, %scan3A_9#0 masked %reduce_sum3A_13 : vector<16xf32>, vector<16xi1> -> vector<16xf32>
      %reduce_sum3A_15 = vector.extract %reduce_sum3A_14[15] : f32 from vector<16xf32>
      %mul3A_16 = arith.mulf %reduce_sum3A_15, %div3A_12 : f32
      %reduce_sum3A_17 = arith.constant true
      %reduce_sum3A_18 = vector.broadcast %reduce_sum3A_17 : i1 to vector<16xi1>
      %reduce_sum3A_19 = tpu.scan <sum>, %scan3A_9#1 masked %reduce_sum3A_18 : vector<16xf32>, vector<16xi1> -> vector<16xf32>
      %reduce_sum3A_20 = vector.extract %reduce_sum3A_19[15] : f32 from vector<16xf32>
      %mul3A_21 = arith.mulf %reduce_sum3A_20, %div3A_12 : f32
      %eq3A_22 = arith.constant 0 : i32
      %eq3A_23 = vector.broadcast %eq3A_22 : i32 to vector<16xi32>
      %eq3A_24 = arith.cmpi eq, %iota3A, %eq3A_23 : vector<16xi32>
      %eq3A_25 = arith.constant 1 : i32
      %eq3A_26 = vector.broadcast %eq3A_25 : i32 to vector<16xi32>
      %eq3A_27 = arith.cmpi eq, %iota3A, %eq3A_26 : vector<16xi32>
      %jit3A = arith.constant 0.000000e+00 : f32
      %broadcast_in_dim3A_28 = vector.broadcast %mul3A_21 : f32 to vector<16xf32>
      %broadcast_in_dim3A_29 = vector.broadcast %jit3A : f32 to vector<16xf32>
      %select_n3A = arith.select %eq3A_27, %broadcast_in_dim3A_28, %broadcast_in_dim3A_29 : vector<16xi1>, vector<16xf32>
      %broadcast_in_dim3A_30 = vector.broadcast %mul3A_16 : f32 to vector<16xf32>
      %select_n3A_31 = arith.select %eq3A_24, %broadcast_in_dim3A_30, %select_n3A : vector<16xi1>, vector<16xf32>
      %swap3A = arith.constant 0 : index
      %swap3A_32 = tpu.vector_load %arg9[%swap3A] {strides = array<i32>} : memref<16xf32, #tpu.memory_space<vmem>>, vector<16xf32>,
      tpu.vector_store %arg9[%swap3A], %select_n3A_31 {strides = array<i32>} : memref<16xf32, #tpu.memory_space<vmem>>, vector<16xf32>,
      "tpu.region"() ({
        %run_scoped3A = tpu.sem_alloc : memref<!tpu.dma_semaphore, #tpu.memory_space<semaphore_mem>>
        tpu.enqueue_dma source(%arg9 : memref<16xf32, #tpu.memory_space<vmem>>) target(%arg5 : memref<16xf32, #tpu.memory_space<hbm>>) target_semaphore(%run_scoped3A : memref<!tpu.dma_semaphore, #tpu.memory_space<semaphore_mem>>)
        tpu.wait_dma2 semaphore(%run_scoped3A : memref<!tpu.dma_semaphore, #tpu.memory_space<semaphore_mem>>) src(%arg9 : memref<16xf32, #tpu.memory_space<vmem>>) dst(%arg5 : memref<16xf32, #tpu.memory_space<hbm>>)
        tpu.yield
      }) : () -> ()
    } else {
    }
    return
  }
}

module attributes {stable_mosaic.version = 14 : i64} {
  func.func @_ce_body(%arg0: i32, %arg1: memref<13x8x900xf32, #tpu.memory_space<vmem>>, %arg2: memref<8x25xi32, #tpu.memory_space<vmem>>, %arg3: memref<8x25xi32, #tpu.memory_space<vmem>>, %arg4: memref<1x128xf32, #tpu.memory_space<vmem>>, %arg5: memref<8x900xi32, #tpu.memory_space<vmem>>) attributes {dimension_semantics = [#tpu.dimension_semantics<arbitrary>], iteration_bounds = array<i64: 7>, scalar_prefetch = 0 : i64, scratch_operands = 1 : i64, tpu.core_type = #tpu.core_type<tc>, window_params = [{transform_indices = @transform_0, window_bounds = array<i64: 13, 8, 900>}, {pipeline_mode = #tpu.pipeline_mode<synchronous>, transform_indices = @transform_1, window_bounds = array<i64: 8, 25>}, {pipeline_mode = #tpu.pipeline_mode<synchronous>, transform_indices = @transform_2, window_bounds = array<i64: 8, 25>}, {pipeline_mode = #tpu.pipeline_mode<synchronous>, transform_indices = @transform_3, window_bounds = array<i64: 1, 128>}]} {
    %eq3A = arith.constant 0 : i32
    %eq3A_0 = arith.cmpi eq, %arg0, %eq3A : i32
    %convert_element_type3A = arith.extui %eq3A_0 : i1 to i32
    %cond3A = arith.constant 0 : i32
    %cond3A_1 = arith.cmpi ne, %convert_element_type3A, %cond3A : i32
    scf.if %cond3A_1 {
      %iota3A = tpu.iota {dimensions = array<i32: 1>} : vector<8x900xi32>
      %broadcast_in_dim3A_646 = arith.constant -1 : i32
      %broadcast_in_dim3A_647 = vector.broadcast %broadcast_in_dim3A_646 : i32 to vector<8x900xi32>
      %get3A_648 = arith.constant 0 : index
      %get3A_649 = arith.constant 0 : index
      %get3A_650 = vector.load %arg2[%get3A_648, %get3A_649] : memref<8x25xi32, #tpu.memory_space<vmem>>, vector<8x1xi32>
      %eq3A_651 = vector.broadcast %get3A_650 : vector<8x1xi32> to vector<8x900xi32>
      %eq3A_652 = arith.cmpi eq, %iota3A, %eq3A_651 : vector<8x900xi32>
      %get3A_653 = arith.constant 0 : index
      %get3A_654 = arith.constant 0 : index
      %get3A_655 = vector.load %arg3[%get3A_653, %get3A_654] : memref<8x25xi32, #tpu.memory_space<vmem>>, vector<8x1xi32>
      %broadcast_in_dim3A_656 = vector.shape_cast %get3A_655 : vector<8x1xi32> to vector<8x1xi32>
      %broadcast_in_dim3A_657 = vector.broadcast %broadcast_in_dim3A_656 : vector<8x1xi32> to vector<8x900xi32>
      %select_n3A_658 = arith.select %eq3A_652, %broadcast_in_dim3A_657, %broadcast_in_dim3A_647 : vector<8x900xi1>, vector<8x900xi32>
      %get3A_659 = arith.constant 0 : index
      %get3A_660 = arith.constant 1 : index
      %get3A_661 = vector.load %arg2[%get3A_659, %get3A_660] : memref<8x25xi32, #tpu.memory_space<vmem>>, vector<8x1xi32>
      %eq3A_662 = vector.broadcast %get3A_661 : vector<8x1xi32> to vector<8x900xi32>
      %eq3A_663 = arith.cmpi eq, %iota3A, %eq3A_662 : vector<8x900xi32>
      %get3A_664 = arith.constant 0 : index
      %get3A_665 = arith.constant 1 : index
      %get3A_666 = vector.load %arg3[%get3A_664, %get3A_665] : memref<8x25xi32, #tpu.memory_space<vmem>>, vector<8x1xi32>
      %broadcast_in_dim3A_667 = vector.shape_cast %get3A_666 : vector<8x1xi32> to vector<8x1xi32>
      %broadcast_in_dim3A_668 = vector.broadcast %broadcast_in_dim3A_667 : vector<8x1xi32> to vector<8x900xi32>
      %select_n3A_669 = arith.select %eq3A_663, %broadcast_in_dim3A_668, %select_n3A_658 : vector<8x900xi1>, vector<8x900xi32>
      %get3A_670 = arith.constant 0 : index
      %get3A_671 = arith.constant 2 : index
      %get3A_672 = vector.load %arg2[%get3A_670, %get3A_671] : memref<8x25xi32, #tpu.memory_space<vmem>>, vector<8x1xi32>
      %eq3A_673 = vector.broadcast %get3A_672 : vector<8x1xi32> to vector<8x900xi32>
      %eq3A_674 = arith.cmpi eq, %iota3A, %eq3A_673 : vector<8x900xi32>
      %get3A_675 = arith.constant 0 : index
      %get3A_676 = arith.constant 2 : index
      %get3A_677 = vector.load %arg3[%get3A_675, %get3A_676] : memref<8x25xi32, #tpu.memory_space<vmem>>, vector<8x1xi32>
      %broadcast_in_dim3A_678 = vector.shape_cast %get3A_677 : vector<8x1xi32> to vector<8x1xi32>
      %broadcast_in_dim3A_679 = vector.broadcast %broadcast_in_dim3A_678 : vector<8x1xi32> to vector<8x900xi32>
      %select_n3A_680 = arith.select %eq3A_674, %broadcast_in_dim3A_679, %select_n3A_669 : vector<8x900xi1>, vector<8x900xi32>
      %get3A_681 = arith.constant 0 : index
      %get3A_682 = arith.constant 3 : index
      %get3A_683 = vector.load %arg2[%get3A_681, %get3A_682] : memref<8x25xi32, #tpu.memory_space<vmem>>, vector<8x1xi32>
      %eq3A_684 = vector.broadcast %get3A_683 : vector<8x1xi32> to vector<8x900xi32>
      %eq3A_685 = arith.cmpi eq, %iota3A, %eq3A_684 : vector<8x900xi32>
      %get3A_686 = arith.constant 0 : index
      %get3A_687 = arith.constant 3 : index
      %get3A_688 = vector.load %arg3[%get3A_686, %get3A_687] : memref<8x25xi32, #tpu.memory_space<vmem>>, vector<8x1xi32>
      %broadcast_in_dim3A_689 = vector.shape_cast %get3A_688 : vector<8x1xi32> to vector<8x1xi32>
      %broadcast_in_dim3A_690 = vector.broadcast %broadcast_in_dim3A_689 : vector<8x1xi32> to vector<8x900xi32>
      %select_n3A_691 = arith.select %eq3A_685, %broadcast_in_dim3A_690, %select_n3A_680 : vector<8x900xi1>, vector<8x900xi32>
      %get3A_692 = arith.constant 0 : index
      %get3A_693 = arith.constant 4 : index
      %get3A_694 = vector.load %arg2[%get3A_692, %get3A_693] : memref<8x25xi32, #tpu.memory_space<vmem>>, vector<8x1xi32>
      %eq3A_695 = vector.broadcast %get3A_694 : vector<8x1xi32> to vector<8x900xi32>
      %eq3A_696 = arith.cmpi eq, %iota3A, %eq3A_695 : vector<8x900xi32>
      %get3A_697 = arith.constant 0 : index
      %get3A_698 = arith.constant 4 : index
      %get3A_699 = vector.load %arg3[%get3A_697, %get3A_698] : memref<8x25xi32, #tpu.memory_space<vmem>>, vector<8x1xi32>
      %broadcast_in_dim3A_700 = vector.shape_cast %get3A_699 : vector<8x1xi32> to vector<8x1xi32>
      %broadcast_in_dim3A_701 = vector.broadcast %broadcast_in_dim3A_700 : vector<8x1xi32> to vector<8x900xi32>
      %select_n3A_702 = arith.select %eq3A_696, %broadcast_in_dim3A_701, %select_n3A_691 : vector<8x900xi1>, vector<8x900xi32>
      %get3A_703 = arith.constant 0 : index
      %get3A_704 = arith.constant 5 : index
      %get3A_705 = vector.load %arg2[%get3A_703, %get3A_704] : memref<8x25xi32, #tpu.memory_space<vmem>>, vector<8x1xi32>
      %eq3A_706 = vector.broadcast %get3A_705 : vector<8x1xi32> to vector<8x900xi32>
      %eq3A_707 = arith.cmpi eq, %iota3A, %eq3A_706 : vector<8x900xi32>
      %get3A_708 = arith.constant 0 : index
      %get3A_709 = arith.constant 5 : index
      %get3A_710 = vector.load %arg3[%get3A_708, %get3A_709] : memref<8x25xi32, #tpu.memory_space<vmem>>, vector<8x1xi32>
      %broadcast_in_dim3A_711 = vector.shape_cast %get3A_710 : vector<8x1xi32> to vector<8x1xi32>
      %broadcast_in_dim3A_712 = vector.broadcast %broadcast_in_dim3A_711 : vector<8x1xi32> to vector<8x900xi32>
      %select_n3A_713 = arith.select %eq3A_707, %broadcast_in_dim3A_712, %select_n3A_702 : vector<8x900xi1>, vector<8x900xi32>
      %get3A_714 = arith.constant 0 : index
      %get3A_715 = arith.constant 6 : index
      %get3A_716 = vector.load %arg2[%get3A_714, %get3A_715] : memref<8x25xi32, #tpu.memory_space<vmem>>, vector<8x1xi32>
      %eq3A_717 = vector.broadcast %get3A_716 : vector<8x1xi32> to vector<8x900xi32>
      %eq3A_718 = arith.cmpi eq, %iota3A, %eq3A_717 : vector<8x900xi32>
      %get3A_719 = arith.constant 0 : index
      %get3A_720 = arith.constant 6 : index
      %get3A_721 = vector.load %arg3[%get3A_719, %get3A_720] : memref<8x25xi32, #tpu.memory_space<vmem>>, vector<8x1xi32>
      %broadcast_in_dim3A_722 = vector.shape_cast %get3A_721 : vector<8x1xi32> to vector<8x1xi32>
      %broadcast_in_dim3A_723 = vector.broadcast %broadcast_in_dim3A_722 : vector<8x1xi32> to vector<8x900xi32>
      %select_n3A_724 = arith.select %eq3A_718, %broadcast_in_dim3A_723, %select_n3A_713 : vector<8x900xi1>, vector<8x900xi32>
      %get3A_725 = arith.constant 0 : index
      %get3A_726 = arith.constant 7 : index
      %get3A_727 = vector.load %arg2[%get3A_725, %get3A_726] : memref<8x25xi32, #tpu.memory_space<vmem>>, vector<8x1xi32>
      %eq3A_728 = vector.broadcast %get3A_727 : vector<8x1xi32> to vector<8x900xi32>
      %eq3A_729 = arith.cmpi eq, %iota3A, %eq3A_728 : vector<8x900xi32>
      %get3A_730 = arith.constant 0 : index
      %get3A_731 = arith.constant 7 : index
      %get3A_732 = vector.load %arg3[%get3A_730, %get3A_731] : memref<8x25xi32, #tpu.memory_space<vmem>>, vector<8x1xi32>
      %broadcast_in_dim3A_733 = vector.shape_cast %get3A_732 : vector<8x1xi32> to vector<8x1xi32>
      %broadcast_in_dim3A_734 = vector.broadcast %broadcast_in_dim3A_733 : vector<8x1xi32> to vector<8x900xi32>
      %select_n3A_735 = arith.select %eq3A_729, %broadcast_in_dim3A_734, %select_n3A_724 : vector<8x900xi1>, vector<8x900xi32>
      %get3A_736 = arith.constant 0 : index
      %get3A_737 = arith.constant 8 : index
      %get3A_738 = vector.load %arg2[%get3A_736, %get3A_737] : memref<8x25xi32, #tpu.memory_space<vmem>>, vector<8x1xi32>
      %eq3A_739 = vector.broadcast %get3A_738 : vector<8x1xi32> to vector<8x900xi32>
      %eq3A_740 = arith.cmpi eq, %iota3A, %eq3A_739 : vector<8x900xi32>
      %get3A_741 = arith.constant 0 : index
      %get3A_742 = arith.constant 8 : index
      %get3A_743 = vector.load %arg3[%get3A_741, %get3A_742] : memref<8x25xi32, #tpu.memory_space<vmem>>, vector<8x1xi32>
      %broadcast_in_dim3A_744 = vector.shape_cast %get3A_743 : vector<8x1xi32> to vector<8x1xi32>
      %broadcast_in_dim3A_745 = vector.broadcast %broadcast_in_dim3A_744 : vector<8x1xi32> to vector<8x900xi32>
      %select_n3A_746 = arith.select %eq3A_740, %broadcast_in_dim3A_745, %select_n3A_735 : vector<8x900xi1>, vector<8x900xi32>
      %get3A_747 = arith.constant 0 : index
      %get3A_748 = arith.constant 9 : index
      %get3A_749 = vector.load %arg2[%get3A_747, %get3A_748] : memref<8x25xi32, #tpu.memory_space<vmem>>, vector<8x1xi32>
      %eq3A_750 = vector.broadcast %get3A_749 : vector<8x1xi32> to vector<8x900xi32>
      %eq3A_751 = arith.cmpi eq, %iota3A, %eq3A_750 : vector<8x900xi32>
      %get3A_752 = arith.constant 0 : index
      %get3A_753 = arith.constant 9 : index
      %get3A_754 = vector.load %arg3[%get3A_752, %get3A_753] : memref<8x25xi32, #tpu.memory_space<vmem>>, vector<8x1xi32>
      %broadcast_in_dim3A_755 = vector.shape_cast %get3A_754 : vector<8x1xi32> to vector<8x1xi32>
      %broadcast_in_dim3A_756 = vector.broadcast %broadcast_in_dim3A_755 : vector<8x1xi32> to vector<8x900xi32>
      %select_n3A_757 = arith.select %eq3A_751, %broadcast_in_dim3A_756, %select_n3A_746 : vector<8x900xi1>, vector<8x900xi32>
      %get3A_758 = arith.constant 0 : index
      %get3A_759 = arith.constant 10 : index
      %get3A_760 = vector.load %arg2[%get3A_758, %get3A_759] : memref<8x25xi32, #tpu.memory_space<vmem>>, vector<8x1xi32>
      %eq3A_761 = vector.broadcast %get3A_760 : vector<8x1xi32> to vector<8x900xi32>
      %eq3A_762 = arith.cmpi eq, %iota3A, %eq3A_761 : vector<8x900xi32>
      %get3A_763 = arith.constant 0 : index
      %get3A_764 = arith.constant 10 : index
      %get3A_765 = vector.load %arg3[%get3A_763, %get3A_764] : memref<8x25xi32, #tpu.memory_space<vmem>>, vector<8x1xi32>
      %broadcast_in_dim3A_766 = vector.shape_cast %get3A_765 : vector<8x1xi32> to vector<8x1xi32>
      %broadcast_in_dim3A_767 = vector.broadcast %broadcast_in_dim3A_766 : vector<8x1xi32> to vector<8x900xi32>
      %select_n3A_768 = arith.select %eq3A_762, %broadcast_in_dim3A_767, %select_n3A_757 : vector<8x900xi1>, vector<8x900xi32>
      %get3A_769 = arith.constant 0 : index
      %get3A_770 = arith.constant 11 : index
      %get3A_771 = vector.load %arg2[%get3A_769, %get3A_770] : memref<8x25xi32, #tpu.memory_space<vmem>>, vector<8x1xi32>
      %eq3A_772 = vector.broadcast %get3A_771 : vector<8x1xi32> to vector<8x900xi32>
      %eq3A_773 = arith.cmpi eq, %iota3A, %eq3A_772 : vector<8x900xi32>
      %get3A_774 = arith.constant 0 : index
      %get3A_775 = arith.constant 11 : index
      %get3A_776 = vector.load %arg3[%get3A_774, %get3A_775] : memref<8x25xi32, #tpu.memory_space<vmem>>, vector<8x1xi32>
      %broadcast_in_dim3A_777 = vector.shape_cast %get3A_776 : vector<8x1xi32> to vector<8x1xi32>
      %broadcast_in_dim3A_778 = vector.broadcast %broadcast_in_dim3A_777 : vector<8x1xi32> to vector<8x900xi32>
      %select_n3A_779 = arith.select %eq3A_773, %broadcast_in_dim3A_778, %select_n3A_768 : vector<8x900xi1>, vector<8x900xi32>
      %get3A_780 = arith.constant 0 : index
      %get3A_781 = arith.constant 12 : index
      %get3A_782 = vector.load %arg2[%get3A_780, %get3A_781] : memref<8x25xi32, #tpu.memory_space<vmem>>, vector<8x1xi32>
      %eq3A_783 = vector.broadcast %get3A_782 : vector<8x1xi32> to vector<8x900xi32>
      %eq3A_784 = arith.cmpi eq, %iota3A, %eq3A_783 : vector<8x900xi32>
      %get3A_785 = arith.constant 0 : index
      %get3A_786 = arith.constant 12 : index
      %get3A_787 = vector.load %arg3[%get3A_785, %get3A_786] : memref<8x25xi32, #tpu.memory_space<vmem>>, vector<8x1xi32>
      %broadcast_in_dim3A_788 = vector.shape_cast %get3A_787 : vector<8x1xi32> to vector<8x1xi32>
      %broadcast_in_dim3A_789 = vector.broadcast %broadcast_in_dim3A_788 : vector<8x1xi32> to vector<8x900xi32>
      %select_n3A_790 = arith.select %eq3A_784, %broadcast_in_dim3A_789, %select_n3A_779 : vector<8x900xi1>, vector<8x900xi32>
      %get3A_791 = arith.constant 0 : index
      %get3A_792 = arith.constant 13 : index
      %get3A_793 = vector.load %arg2[%get3A_791, %get3A_792] : memref<8x25xi32, #tpu.memory_space<vmem>>, vector<8x1xi32>
      %eq3A_794 = vector.broadcast %get3A_793 : vector<8x1xi32> to vector<8x900xi32>
      %eq3A_795 = arith.cmpi eq, %iota3A, %eq3A_794 : vector<8x900xi32>
      %get3A_796 = arith.constant 0 : index
      %get3A_797 = arith.constant 13 : index
      %get3A_798 = vector.load %arg3[%get3A_796, %get3A_797] : memref<8x25xi32, #tpu.memory_space<vmem>>, vector<8x1xi32>
      %broadcast_in_dim3A_799 = vector.shape_cast %get3A_798 : vector<8x1xi32> to vector<8x1xi32>
      %broadcast_in_dim3A_800 = vector.broadcast %broadcast_in_dim3A_799 : vector<8x1xi32> to vector<8x900xi32>
      %select_n3A_801 = arith.select %eq3A_795, %broadcast_in_dim3A_800, %select_n3A_790 : vector<8x900xi1>, vector<8x900xi32>
      %get3A_802 = arith.constant 0 : index
      %get3A_803 = arith.constant 14 : index
      %get3A_804 = vector.load %arg2[%get3A_802, %get3A_803] : memref<8x25xi32, #tpu.memory_space<vmem>>, vector<8x1xi32>
      %eq3A_805 = vector.broadcast %get3A_804 : vector<8x1xi32> to vector<8x900xi32>
      %eq3A_806 = arith.cmpi eq, %iota3A, %eq3A_805 : vector<8x900xi32>
      %get3A_807 = arith.constant 0 : index
      %get3A_808 = arith.constant 14 : index
      %get3A_809 = vector.load %arg3[%get3A_807, %get3A_808] : memref<8x25xi32, #tpu.memory_space<vmem>>, vector<8x1xi32>
      %broadcast_in_dim3A_810 = vector.shape_cast %get3A_809 : vector<8x1xi32> to vector<8x1xi32>
      %broadcast_in_dim3A_811 = vector.broadcast %broadcast_in_dim3A_810 : vector<8x1xi32> to vector<8x900xi32>
      %select_n3A_812 = arith.select %eq3A_806, %broadcast_in_dim3A_811, %select_n3A_801 : vector<8x900xi1>, vector<8x900xi32>
      %get3A_813 = arith.constant 0 : index
      %get3A_814 = arith.constant 15 : index
      %get3A_815 = vector.load %arg2[%get3A_813, %get3A_814] : memref<8x25xi32, #tpu.memory_space<vmem>>, vector<8x1xi32>
      %eq3A_816 = vector.broadcast %get3A_815 : vector<8x1xi32> to vector<8x900xi32>
      %eq3A_817 = arith.cmpi eq, %iota3A, %eq3A_816 : vector<8x900xi32>
      %get3A_818 = arith.constant 0 : index
      %get3A_819 = arith.constant 15 : index
      %get3A_820 = vector.load %arg3[%get3A_818, %get3A_819] : memref<8x25xi32, #tpu.memory_space<vmem>>, vector<8x1xi32>
      %broadcast_in_dim3A_821 = vector.shape_cast %get3A_820 : vector<8x1xi32> to vector<8x1xi32>
      %broadcast_in_dim3A_822 = vector.broadcast %broadcast_in_dim3A_821 : vector<8x1xi32> to vector<8x900xi32>
      %select_n3A_823 = arith.select %eq3A_817, %broadcast_in_dim3A_822, %select_n3A_812 : vector<8x900xi1>, vector<8x900xi32>
      %get3A_824 = arith.constant 0 : index
      %get3A_825 = arith.constant 16 : index
      %get3A_826 = vector.load %arg2[%get3A_824, %get3A_825] : memref<8x25xi32, #tpu.memory_space<vmem>>, vector<8x1xi32>
      %eq3A_827 = vector.broadcast %get3A_826 : vector<8x1xi32> to vector<8x900xi32>
      %eq3A_828 = arith.cmpi eq, %iota3A, %eq3A_827 : vector<8x900xi32>
      %get3A_829 = arith.constant 0 : index
      %get3A_830 = arith.constant 16 : index
      %get3A_831 = vector.load %arg3[%get3A_829, %get3A_830] : memref<8x25xi32, #tpu.memory_space<vmem>>, vector<8x1xi32>
      %broadcast_in_dim3A_832 = vector.shape_cast %get3A_831 : vector<8x1xi32> to vector<8x1xi32>
      %broadcast_in_dim3A_833 = vector.broadcast %broadcast_in_dim3A_832 : vector<8x1xi32> to vector<8x900xi32>
      %select_n3A_834 = arith.select %eq3A_828, %broadcast_in_dim3A_833, %select_n3A_823 : vector<8x900xi1>, vector<8x900xi32>
      %get3A_835 = arith.constant 0 : index
      %get3A_836 = arith.constant 17 : index
      %get3A_837 = vector.load %arg2[%get3A_835, %get3A_836] : memref<8x25xi32, #tpu.memory_space<vmem>>, vector<8x1xi32>
      %eq3A_838 = vector.broadcast %get3A_837 : vector<8x1xi32> to vector<8x900xi32>
      %eq3A_839 = arith.cmpi eq, %iota3A, %eq3A_838 : vector<8x900xi32>
      %get3A_840 = arith.constant 0 : index
      %get3A_841 = arith.constant 17 : index
      %get3A_842 = vector.load %arg3[%get3A_840, %get3A_841] : memref<8x25xi32, #tpu.memory_space<vmem>>, vector<8x1xi32>
      %broadcast_in_dim3A_843 = vector.shape_cast %get3A_842 : vector<8x1xi32> to vector<8x1xi32>
      %broadcast_in_dim3A_844 = vector.broadcast %broadcast_in_dim3A_843 : vector<8x1xi32> to vector<8x900xi32>
      %select_n3A_845 = arith.select %eq3A_839, %broadcast_in_dim3A_844, %select_n3A_834 : vector<8x900xi1>, vector<8x900xi32>
      %get3A_846 = arith.constant 0 : index
      %get3A_847 = arith.constant 18 : index
      %get3A_848 = vector.load %arg2[%get3A_846, %get3A_847] : memref<8x25xi32, #tpu.memory_space<vmem>>, vector<8x1xi32>
      %eq3A_849 = vector.broadcast %get3A_848 : vector<8x1xi32> to vector<8x900xi32>
      %eq3A_850 = arith.cmpi eq, %iota3A, %eq3A_849 : vector<8x900xi32>
      %get3A_851 = arith.constant 0 : index
      %get3A_852 = arith.constant 18 : index
      %get3A_853 = vector.load %arg3[%get3A_851, %get3A_852] : memref<8x25xi32, #tpu.memory_space<vmem>>, vector<8x1xi32>
      %broadcast_in_dim3A_854 = vector.shape_cast %get3A_853 : vector<8x1xi32> to vector<8x1xi32>
      %broadcast_in_dim3A_855 = vector.broadcast %broadcast_in_dim3A_854 : vector<8x1xi32> to vector<8x900xi32>
      %select_n3A_856 = arith.select %eq3A_850, %broadcast_in_dim3A_855, %select_n3A_845 : vector<8x900xi1>, vector<8x900xi32>
      %get3A_857 = arith.constant 0 : index
      %get3A_858 = arith.constant 19 : index
      %get3A_859 = vector.load %arg2[%get3A_857, %get3A_858] : memref<8x25xi32, #tpu.memory_space<vmem>>, vector<8x1xi32>
      %eq3A_860 = vector.broadcast %get3A_859 : vector<8x1xi32> to vector<8x900xi32>
      %eq3A_861 = arith.cmpi eq, %iota3A, %eq3A_860 : vector<8x900xi32>
      %get3A_862 = arith.constant 0 : index
      %get3A_863 = arith.constant 19 : index
      %get3A_864 = vector.load %arg3[%get3A_862, %get3A_863] : memref<8x25xi32, #tpu.memory_space<vmem>>, vector<8x1xi32>
      %broadcast_in_dim3A_865 = vector.shape_cast %get3A_864 : vector<8x1xi32> to vector<8x1xi32>
      %broadcast_in_dim3A_866 = vector.broadcast %broadcast_in_dim3A_865 : vector<8x1xi32> to vector<8x900xi32>
      %select_n3A_867 = arith.select %eq3A_861, %broadcast_in_dim3A_866, %select_n3A_856 : vector<8x900xi1>, vector<8x900xi32>
      %get3A_868 = arith.constant 0 : index
      %get3A_869 = arith.constant 20 : index
      %get3A_870 = vector.load %arg2[%get3A_868, %get3A_869] : memref<8x25xi32, #tpu.memory_space<vmem>>, vector<8x1xi32>
      %eq3A_871 = vector.broadcast %get3A_870 : vector<8x1xi32> to vector<8x900xi32>
      %eq3A_872 = arith.cmpi eq, %iota3A, %eq3A_871 : vector<8x900xi32>
      %get3A_873 = arith.constant 0 : index
      %get3A_874 = arith.constant 20 : index
      %get3A_875 = vector.load %arg3[%get3A_873, %get3A_874] : memref<8x25xi32, #tpu.memory_space<vmem>>, vector<8x1xi32>
      %broadcast_in_dim3A_876 = vector.shape_cast %get3A_875 : vector<8x1xi32> to vector<8x1xi32>
      %broadcast_in_dim3A_877 = vector.broadcast %broadcast_in_dim3A_876 : vector<8x1xi32> to vector<8x900xi32>
      %select_n3A_878 = arith.select %eq3A_872, %broadcast_in_dim3A_877, %select_n3A_867 : vector<8x900xi1>, vector<8x900xi32>
      %get3A_879 = arith.constant 0 : index
      %get3A_880 = arith.constant 21 : index
      %get3A_881 = vector.load %arg2[%get3A_879, %get3A_880] : memref<8x25xi32, #tpu.memory_space<vmem>>, vector<8x1xi32>
      %eq3A_882 = vector.broadcast %get3A_881 : vector<8x1xi32> to vector<8x900xi32>
      %eq3A_883 = arith.cmpi eq, %iota3A, %eq3A_882 : vector<8x900xi32>
      %get3A_884 = arith.constant 0 : index
      %get3A_885 = arith.constant 21 : index
      %get3A_886 = vector.load %arg3[%get3A_884, %get3A_885] : memref<8x25xi32, #tpu.memory_space<vmem>>, vector<8x1xi32>
      %broadcast_in_dim3A_887 = vector.shape_cast %get3A_886 : vector<8x1xi32> to vector<8x1xi32>
      %broadcast_in_dim3A_888 = vector.broadcast %broadcast_in_dim3A_887 : vector<8x1xi32> to vector<8x900xi32>
      %select_n3A_889 = arith.select %eq3A_883, %broadcast_in_dim3A_888, %select_n3A_878 : vector<8x900xi1>, vector<8x900xi32>
      %get3A_890 = arith.constant 0 : index
      %get3A_891 = arith.constant 22 : index
      %get3A_892 = vector.load %arg2[%get3A_890, %get3A_891] : memref<8x25xi32, #tpu.memory_space<vmem>>, vector<8x1xi32>
      %eq3A_893 = vector.broadcast %get3A_892 : vector<8x1xi32> to vector<8x900xi32>
      %eq3A_894 = arith.cmpi eq, %iota3A, %eq3A_893 : vector<8x900xi32>
      %get3A_895 = arith.constant 0 : index
      %get3A_896 = arith.constant 22 : index
      %get3A_897 = vector.load %arg3[%get3A_895, %get3A_896] : memref<8x25xi32, #tpu.memory_space<vmem>>, vector<8x1xi32>
      %broadcast_in_dim3A_898 = vector.shape_cast %get3A_897 : vector<8x1xi32> to vector<8x1xi32>
      %broadcast_in_dim3A_899 = vector.broadcast %broadcast_in_dim3A_898 : vector<8x1xi32> to vector<8x900xi32>
      %select_n3A_900 = arith.select %eq3A_894, %broadcast_in_dim3A_899, %select_n3A_889 : vector<8x900xi1>, vector<8x900xi32>
      %get3A_901 = arith.constant 0 : index
      %get3A_902 = arith.constant 23 : index
      %get3A_903 = vector.load %arg2[%get3A_901, %get3A_902] : memref<8x25xi32, #tpu.memory_space<vmem>>, vector<8x1xi32>
      %eq3A_904 = vector.broadcast %get3A_903 : vector<8x1xi32> to vector<8x900xi32>
      %eq3A_905 = arith.cmpi eq, %iota3A, %eq3A_904 : vector<8x900xi32>
      %get3A_906 = arith.constant 0 : index
      %get3A_907 = arith.constant 23 : index
      %get3A_908 = vector.load %arg3[%get3A_906, %get3A_907] : memref<8x25xi32, #tpu.memory_space<vmem>>, vector<8x1xi32>
      %broadcast_in_dim3A_909 = vector.shape_cast %get3A_908 : vector<8x1xi32> to vector<8x1xi32>
      %broadcast_in_dim3A_910 = vector.broadcast %broadcast_in_dim3A_909 : vector<8x1xi32> to vector<8x900xi32>
      %select_n3A_911 = arith.select %eq3A_905, %broadcast_in_dim3A_910, %select_n3A_900 : vector<8x900xi1>, vector<8x900xi32>
      %get3A_912 = arith.constant 0 : index
      %get3A_913 = arith.constant 24 : index
      %get3A_914 = vector.load %arg2[%get3A_912, %get3A_913] : memref<8x25xi32, #tpu.memory_space<vmem>>, vector<8x1xi32>
      %eq3A_915 = vector.broadcast %get3A_914 : vector<8x1xi32> to vector<8x900xi32>
      %eq3A_916 = arith.cmpi eq, %iota3A, %eq3A_915 : vector<8x900xi32>
      %get3A_917 = arith.constant 0 : index
      %get3A_918 = arith.constant 24 : index
      %get3A_919 = vector.load %arg3[%get3A_917, %get3A_918] : memref<8x25xi32, #tpu.memory_space<vmem>>, vector<8x1xi32>
      %broadcast_in_dim3A_920 = vector.shape_cast %get3A_919 : vector<8x1xi32> to vector<8x1xi32>
      %broadcast_in_dim3A_921 = vector.broadcast %broadcast_in_dim3A_920 : vector<8x1xi32> to vector<8x900xi32>
      %select_n3A_922 = arith.select %eq3A_916, %broadcast_in_dim3A_921, %select_n3A_911 : vector<8x900xi1>, vector<8x900xi32>
      %swap3A_923 = arith.constant 0 : index
      %swap3A_924 = arith.constant 0 : index
      %swap3A_925 = vector.load %arg5[%swap3A_923, %swap3A_924] : memref<8x900xi32, #tpu.memory_space<vmem>>, vector<8x900xi32>
      tpu.vector_store %arg5[%swap3A_923, %swap3A_924], %select_n3A_922 {strides = array<i32>} : memref<8x900xi32, #tpu.memory_space<vmem>>, vector<8x900xi32>,
      %broadcast_in_dim3A_926 = arith.constant 0.000000e+00 : f32
      %broadcast_in_dim3A_927 = vector.broadcast %broadcast_in_dim3A_926 : f32 to vector<1x128xf32>
      %swap3A_928 = arith.constant 0 : index
      %swap3A_929 = arith.constant 0 : index
      %swap3A_930 = vector.load %arg4[%swap3A_928, %swap3A_929] : memref<1x128xf32, #tpu.memory_space<vmem>>, vector<1x128xf32>
      tpu.vector_store %arg4[%swap3A_928, %swap3A_929], %broadcast_in_dim3A_927 {strides = array<i32>} : memref<1x128xf32, #tpu.memory_space<vmem>>, vector<1x128xf32>,
    } else {
    }
    %get3A = arith.constant 0 : index
    %get3A_2 = arith.constant 0 : index
    %get3A_3 = vector.load %arg5[%get3A, %get3A_2] : memref<8x900xi32, #tpu.memory_space<vmem>>, vector<8x900xi32>
    %mul3A = arith.constant 13 : i32
    %mul3A_4 = arith.muli %arg0, %mul3A : i32
    %broadcast_in_dim3A = arith.constant 0.000000e+00 : f32
    %broadcast_in_dim3A_5 = vector.broadcast %broadcast_in_dim3A : f32 to vector<8x900xf32>
    %get3A_6 = arith.constant 0 : index
    %get3A_7 = arith.constant 0 : index
    %get3A_8 = arith.constant 0 : index
    %get3A_9 = vector.load %arg1[%get3A_6, %get3A_7, %get3A_8] : memref<13x8x900xf32, #tpu.memory_space<vmem>>, vector<1x8x900xf32>
    %get3A_10 = vector.shape_cast %get3A_9 : vector<1x8x900xf32> to vector<8x900xf32>
    %add3A = arith.constant 0 : i32
    %add3A_11 = arith.addi %mul3A_4, %add3A : i32
    %eq3A_12 = vector.broadcast %add3A_11 : i32 to vector<8x900xi32>
    %eq3A_13 = arith.cmpi eq, %get3A_3, %eq3A_12 : vector<8x900xi32>
    %abs3A = math.absf %get3A_10 : vector<8x900xf32>
    %neg3A = arith.constant 0.000000e+00 : f32
    %neg3A_14 = vector.broadcast %neg3A : f32 to vector<8x900xf32>
    %neg3A_15 = arith.subf %neg3A_14, %abs3A : vector<8x900xf32>
    %exp3A = math.exp %neg3A_15 : vector<8x900xf32>
    %add3A_16 = arith.constant 1.000000e+00 : f32
    %add3A_17 = vector.broadcast %add3A_16 : f32 to vector<8x900xf32>
    %add3A_18 = arith.addf %add3A_17, %exp3A : vector<8x900xf32>
    %max3A = arith.constant 0.000000e+00 : f32
    %max3A_19 = vector.broadcast %max3A : f32 to vector<8x900xf32>
    %max3A_20 = arith.maximumf %get3A_10, %max3A_19 : vector<8x900xf32>
    %log3A = math.log %add3A_18 : vector<8x900xf32>
    %add3A_21 = arith.addf %max3A_20, %log3A : vector<8x900xf32>
    %ge3A = arith.constant 0.000000e+00 : f32
    %ge3A_22 = vector.broadcast %ge3A : f32 to vector<8x900xf32>
    %ge3A_23 = arith.cmpf oge, %get3A_10, %ge3A_22 : vector<8x900xf32>
    %eq3A_24 = arith.xori %eq3A_13, %ge3A_23 : vector<8x900xi1>
    %eq3A_25 = arith.constant dense<true> : vector<8x900xi1>
    %eq3A_26 = arith.xori %eq3A_24, %eq3A_25 : vector<8x900xi1>
    %jit3A = arith.constant 1.000000e+00 : f32
    %broadcast_in_dim3A_27 = vector.broadcast %jit3A : f32 to vector<8x900xf32>
    %select_n3A = arith.select %eq3A_26, %exp3A, %broadcast_in_dim3A_27 : vector<8x900xi1>, vector<8x900xf32>
    %jit3A_28 = arith.constant 5.000000e-01 : f32
    %jit3A_29 = arith.constant 0.866025388 : f32
    %broadcast_in_dim3A_30 = vector.broadcast %jit3A_28 : f32 to vector<8x900xf32>
    %broadcast_in_dim3A_31 = vector.broadcast %jit3A_29 : f32 to vector<8x900xf32>
    %select_n3A_32 = arith.select %eq3A_13, %broadcast_in_dim3A_30, %broadcast_in_dim3A_31 : vector<8x900xi1>, vector<8x900xf32>
    %mul3A_33 = arith.mulf %select_n3A, %select_n3A_32 : vector<8x900xf32>
    %jit3A_34 = arith.constant 0.000000e+00 : f32
    %broadcast_in_dim3A_35 = vector.broadcast %jit3A_34 : f32 to vector<8x900xf32>
    %select_n3A_36 = arith.select %eq3A_13, %get3A_10, %broadcast_in_dim3A_35 : vector<8x900xi1>, vector<8x900xf32>
    %sub3A = arith.subf %add3A_21, %select_n3A_36 : vector<8x900xf32>
    %div3A = arith.constant 1.000000e+00 : f32
    %div3A_37 = vector.broadcast %div3A : f32 to vector<8x900xf32>
    %div3A_38 = arith.divf %div3A_37, %add3A_18 : vector<8x900xf32>
    %mul3A_39 = arith.mulf %mul3A_33, %mul3A_33 : vector<8x900xf32>
    %mul3A_40 = arith.mulf %div3A_38, %div3A_38 : vector<8x900xf32>
    %mul3A_41 = arith.mulf %sub3A, %mul3A_40 : vector<8x900xf32>
    %mul3A_42 = arith.mulf %mul3A_39, %mul3A_41 : vector<8x900xf32>
    %add3A_43 = arith.addf %broadcast_in_dim3A_5, %mul3A_42 : vector<8x900xf32>
    %get3A_44 = arith.constant 1 : index
    %get3A_45 = arith.constant 0 : index
    %get3A_46 = arith.constant 0 : index
    %get3A_47 = vector.load %arg1[%get3A_44, %get3A_45, %get3A_46] : memref<13x8x900xf32, #tpu.memory_space<vmem>>, vector<1x8x900xf32>
    %get3A_48 = vector.shape_cast %get3A_47 : vector<1x8x900xf32> to vector<8x900xf32>
    %add3A_49 = arith.constant 1 : i32
    %add3A_50 = arith.addi %mul3A_4, %add3A_49 : i32
    %eq3A_51 = vector.broadcast %add3A_50 : i32 to vector<8x900xi32>
    %eq3A_52 = arith.cmpi eq, %get3A_3, %eq3A_51 : vector<8x900xi32>
    %abs3A_53 = math.absf %get3A_48 : vector<8x900xf32>
    %neg3A_54 = arith.constant 0.000000e+00 : f32
    %neg3A_55 = vector.broadcast %neg3A_54 : f32 to vector<8x900xf32>
    %neg3A_56 = arith.subf %neg3A_55, %abs3A_53 : vector<8x900xf32>
    %exp3A_57 = math.exp %neg3A_56 : vector<8x900xf32>
    %add3A_58 = arith.constant 1.000000e+00 : f32
    %add3A_59 = vector.broadcast %add3A_58 : f32 to vector<8x900xf32>
    %add3A_60 = arith.addf %add3A_59, %exp3A_57 : vector<8x900xf32>
    %max3A_61 = arith.constant 0.000000e+00 : f32
    %max3A_62 = vector.broadcast %max3A_61 : f32 to vector<8x900xf32>
    %max3A_63 = arith.maximumf %get3A_48, %max3A_62 : vector<8x900xf32>
    %log3A_64 = math.log %add3A_60 : vector<8x900xf32>
    %add3A_65 = arith.addf %max3A_63, %log3A_64 : vector<8x900xf32>
    %ge3A_66 = arith.constant 0.000000e+00 : f32
    %ge3A_67 = vector.broadcast %ge3A_66 : f32 to vector<8x900xf32>
    %ge3A_68 = arith.cmpf oge, %get3A_48, %ge3A_67 : vector<8x900xf32>
    %eq3A_69 = arith.xori %eq3A_52, %ge3A_68 : vector<8x900xi1>
    %eq3A_70 = arith.constant dense<true> : vector<8x900xi1>
    %eq3A_71 = arith.xori %eq3A_69, %eq3A_70 : vector<8x900xi1>
    %jit3A_72 = arith.constant 1.000000e+00 : f32
    %broadcast_in_dim3A_73 = vector.broadcast %jit3A_72 : f32 to vector<8x900xf32>
    %select_n3A_74 = arith.select %eq3A_71, %exp3A_57, %broadcast_in_dim3A_73 : vector<8x900xi1>, vector<8x900xf32>
    %jit3A_75 = arith.constant 5.000000e-01 : f32
    %jit3A_76 = arith.constant 0.866025388 : f32
    %broadcast_in_dim3A_77 = vector.broadcast %jit3A_75 : f32 to vector<8x900xf32>
    %broadcast_in_dim3A_78 = vector.broadcast %jit3A_76 : f32 to vector<8x900xf32>
    %select_n3A_79 = arith.select %eq3A_52, %broadcast_in_dim3A_77, %broadcast_in_dim3A_78 : vector<8x900xi1>, vector<8x900xf32>
    %mul3A_80 = arith.mulf %select_n3A_74, %select_n3A_79 : vector<8x900xf32>
    %jit3A_81 = arith.constant 0.000000e+00 : f32
    %broadcast_in_dim3A_82 = vector.broadcast %jit3A_81 : f32 to vector<8x900xf32>
    %select_n3A_83 = arith.select %eq3A_52, %get3A_48, %broadcast_in_dim3A_82 : vector<8x900xi1>, vector<8x900xf32>
    %sub3A_84 = arith.subf %add3A_65, %select_n3A_83 : vector<8x900xf32>
    %div3A_85 = arith.constant 1.000000e+00 : f32
    %div3A_86 = vector.broadcast %div3A_85 : f32 to vector<8x900xf32>
    %div3A_87 = arith.divf %div3A_86, %add3A_60 : vector<8x900xf32>
    %mul3A_88 = arith.mulf %mul3A_80, %mul3A_80 : vector<8x900xf32>
    %mul3A_89 = arith.mulf %div3A_87, %div3A_87 : vector<8x900xf32>
    %mul3A_90 = arith.mulf %sub3A_84, %mul3A_89 : vector<8x900xf32>
    %mul3A_91 = arith.mulf %mul3A_88, %mul3A_90 : vector<8x900xf32>
    %add3A_92 = arith.addf %add3A_43, %mul3A_91 : vector<8x900xf32>
    %get3A_93 = arith.constant 2 : index
    %get3A_94 = arith.constant 0 : index
    %get3A_95 = arith.constant 0 : index
    %get3A_96 = vector.load %arg1[%get3A_93, %get3A_94, %get3A_95] : memref<13x8x900xf32, #tpu.memory_space<vmem>>, vector<1x8x900xf32>
    %get3A_97 = vector.shape_cast %get3A_96 : vector<1x8x900xf32> to vector<8x900xf32>
    %add3A_98 = arith.constant 2 : i32
    %add3A_99 = arith.addi %mul3A_4, %add3A_98 : i32
    %eq3A_100 = vector.broadcast %add3A_99 : i32 to vector<8x900xi32>
    %eq3A_101 = arith.cmpi eq, %get3A_3, %eq3A_100 : vector<8x900xi32>
    %abs3A_102 = math.absf %get3A_97 : vector<8x900xf32>
    %neg3A_103 = arith.constant 0.000000e+00 : f32
    %neg3A_104 = vector.broadcast %neg3A_103 : f32 to vector<8x900xf32>
    %neg3A_105 = arith.subf %neg3A_104, %abs3A_102 : vector<8x900xf32>
    %exp3A_106 = math.exp %neg3A_105 : vector<8x900xf32>
    %add3A_107 = arith.constant 1.000000e+00 : f32
    %add3A_108 = vector.broadcast %add3A_107 : f32 to vector<8x900xf32>
    %add3A_109 = arith.addf %add3A_108, %exp3A_106 : vector<8x900xf32>
    %max3A_110 = arith.constant 0.000000e+00 : f32
    %max3A_111 = vector.broadcast %max3A_110 : f32 to vector<8x900xf32>
    %max3A_112 = arith.maximumf %get3A_97, %max3A_111 : vector<8x900xf32>
    %log3A_113 = math.log %add3A_109 : vector<8x900xf32>
    %add3A_114 = arith.addf %max3A_112, %log3A_113 : vector<8x900xf32>
    %ge3A_115 = arith.constant 0.000000e+00 : f32
    %ge3A_116 = vector.broadcast %ge3A_115 : f32 to vector<8x900xf32>
    %ge3A_117 = arith.cmpf oge, %get3A_97, %ge3A_116 : vector<8x900xf32>
    %eq3A_118 = arith.xori %eq3A_101, %ge3A_117 : vector<8x900xi1>
    %eq3A_119 = arith.constant dense<true> : vector<8x900xi1>
    %eq3A_120 = arith.xori %eq3A_118, %eq3A_119 : vector<8x900xi1>
    %jit3A_121 = arith.constant 1.000000e+00 : f32
    %broadcast_in_dim3A_122 = vector.broadcast %jit3A_121 : f32 to vector<8x900xf32>
    %select_n3A_123 = arith.select %eq3A_120, %exp3A_106, %broadcast_in_dim3A_122 : vector<8x900xi1>, vector<8x900xf32>
    %jit3A_124 = arith.constant 5.000000e-01 : f32
    %jit3A_125 = arith.constant 0.866025388 : f32
    %broadcast_in_dim3A_126 = vector.broadcast %jit3A_124 : f32 to vector<8x900xf32>
    %broadcast_in_dim3A_127 = vector.broadcast %jit3A_125 : f32 to vector<8x900xf32>
    %select_n3A_128 = arith.select %eq3A_101, %broadcast_in_dim3A_126, %broadcast_in_dim3A_127 : vector<8x900xi1>, vector<8x900xf32>
    %mul3A_129 = arith.mulf %select_n3A_123, %select_n3A_128 : vector<8x900xf32>
    %jit3A_130 = arith.constant 0.000000e+00 : f32
    %broadcast_in_dim3A_131 = vector.broadcast %jit3A_130 : f32 to vector<8x900xf32>
    %select_n3A_132 = arith.select %eq3A_101, %get3A_97, %broadcast_in_dim3A_131 : vector<8x900xi1>, vector<8x900xf32>
    %sub3A_133 = arith.subf %add3A_114, %select_n3A_132 : vector<8x900xf32>
    %div3A_134 = arith.constant 1.000000e+00 : f32
    %div3A_135 = vector.broadcast %div3A_134 : f32 to vector<8x900xf32>
    %div3A_136 = arith.divf %div3A_135, %add3A_109 : vector<8x900xf32>
    %mul3A_137 = arith.mulf %mul3A_129, %mul3A_129 : vector<8x900xf32>
    %mul3A_138 = arith.mulf %div3A_136, %div3A_136 : vector<8x900xf32>
    %mul3A_139 = arith.mulf %sub3A_133, %mul3A_138 : vector<8x900xf32>
    %mul3A_140 = arith.mulf %mul3A_137, %mul3A_139 : vector<8x900xf32>
    %add3A_141 = arith.addf %add3A_92, %mul3A_140 : vector<8x900xf32>
    %get3A_142 = arith.constant 3 : index
    %get3A_143 = arith.constant 0 : index
    %get3A_144 = arith.constant 0 : index
    %get3A_145 = vector.load %arg1[%get3A_142, %get3A_143, %get3A_144] : memref<13x8x900xf32, #tpu.memory_space<vmem>>, vector<1x8x900xf32>
    %get3A_146 = vector.shape_cast %get3A_145 : vector<1x8x900xf32> to vector<8x900xf32>
    %add3A_147 = arith.constant 3 : i32
    %add3A_148 = arith.addi %mul3A_4, %add3A_147 : i32
    %eq3A_149 = vector.broadcast %add3A_148 : i32 to vector<8x900xi32>
    %eq3A_150 = arith.cmpi eq, %get3A_3, %eq3A_149 : vector<8x900xi32>
    %abs3A_151 = math.absf %get3A_146 : vector<8x900xf32>
    %neg3A_152 = arith.constant 0.000000e+00 : f32
    %neg3A_153 = vector.broadcast %neg3A_152 : f32 to vector<8x900xf32>
    %neg3A_154 = arith.subf %neg3A_153, %abs3A_151 : vector<8x900xf32>
    %exp3A_155 = math.exp %neg3A_154 : vector<8x900xf32>
    %add3A_156 = arith.constant 1.000000e+00 : f32
    %add3A_157 = vector.broadcast %add3A_156 : f32 to vector<8x900xf32>
    %add3A_158 = arith.addf %add3A_157, %exp3A_155 : vector<8x900xf32>
    %max3A_159 = arith.constant 0.000000e+00 : f32
    %max3A_160 = vector.broadcast %max3A_159 : f32 to vector<8x900xf32>
    %max3A_161 = arith.maximumf %get3A_146, %max3A_160 : vector<8x900xf32>
    %log3A_162 = math.log %add3A_158 : vector<8x900xf32>
    %add3A_163 = arith.addf %max3A_161, %log3A_162 : vector<8x900xf32>
    %ge3A_164 = arith.constant 0.000000e+00 : f32
    %ge3A_165 = vector.broadcast %ge3A_164 : f32 to vector<8x900xf32>
    %ge3A_166 = arith.cmpf oge, %get3A_146, %ge3A_165 : vector<8x900xf32>
    %eq3A_167 = arith.xori %eq3A_150, %ge3A_166 : vector<8x900xi1>
    %eq3A_168 = arith.constant dense<true> : vector<8x900xi1>
    %eq3A_169 = arith.xori %eq3A_167, %eq3A_168 : vector<8x900xi1>
    %jit3A_170 = arith.constant 1.000000e+00 : f32
    %broadcast_in_dim3A_171 = vector.broadcast %jit3A_170 : f32 to vector<8x900xf32>
    %select_n3A_172 = arith.select %eq3A_169, %exp3A_155, %broadcast_in_dim3A_171 : vector<8x900xi1>, vector<8x900xf32>
    %jit3A_173 = arith.constant 5.000000e-01 : f32
    %jit3A_174 = arith.constant 0.866025388 : f32
    %broadcast_in_dim3A_175 = vector.broadcast %jit3A_173 : f32 to vector<8x900xf32>
    %broadcast_in_dim3A_176 = vector.broadcast %jit3A_174 : f32 to vector<8x900xf32>
    %select_n3A_177 = arith.select %eq3A_150, %broadcast_in_dim3A_175, %broadcast_in_dim3A_176 : vector<8x900xi1>, vector<8x900xf32>
    %mul3A_178 = arith.mulf %select_n3A_172, %select_n3A_177 : vector<8x900xf32>
    %jit3A_179 = arith.constant 0.000000e+00 : f32
    %broadcast_in_dim3A_180 = vector.broadcast %jit3A_179 : f32 to vector<8x900xf32>
    %select_n3A_181 = arith.select %eq3A_150, %get3A_146, %broadcast_in_dim3A_180 : vector<8x900xi1>, vector<8x900xf32>
    %sub3A_182 = arith.subf %add3A_163, %select_n3A_181 : vector<8x900xf32>
    %div3A_183 = arith.constant 1.000000e+00 : f32
    %div3A_184 = vector.broadcast %div3A_183 : f32 to vector<8x900xf32>
    %div3A_185 = arith.divf %div3A_184, %add3A_158 : vector<8x900xf32>
    %mul3A_186 = arith.mulf %mul3A_178, %mul3A_178 : vector<8x900xf32>
    %mul3A_187 = arith.mulf %div3A_185, %div3A_185 : vector<8x900xf32>
    %mul3A_188 = arith.mulf %sub3A_182, %mul3A_187 : vector<8x900xf32>
    %mul3A_189 = arith.mulf %mul3A_186, %mul3A_188 : vector<8x900xf32>
    %add3A_190 = arith.addf %add3A_141, %mul3A_189 : vector<8x900xf32>
    %get3A_191 = arith.constant 4 : index
    %get3A_192 = arith.constant 0 : index
    %get3A_193 = arith.constant 0 : index
    %get3A_194 = vector.load %arg1[%get3A_191, %get3A_192, %get3A_193] : memref<13x8x900xf32, #tpu.memory_space<vmem>>, vector<1x8x900xf32>
    %get3A_195 = vector.shape_cast %get3A_194 : vector<1x8x900xf32> to vector<8x900xf32>
    %add3A_196 = arith.constant 4 : i32
    %add3A_197 = arith.addi %mul3A_4, %add3A_196 : i32
    %eq3A_198 = vector.broadcast %add3A_197 : i32 to vector<8x900xi32>
    %eq3A_199 = arith.cmpi eq, %get3A_3, %eq3A_198 : vector<8x900xi32>
    %abs3A_200 = math.absf %get3A_195 : vector<8x900xf32>
    %neg3A_201 = arith.constant 0.000000e+00 : f32
    %neg3A_202 = vector.broadcast %neg3A_201 : f32 to vector<8x900xf32>
    %neg3A_203 = arith.subf %neg3A_202, %abs3A_200 : vector<8x900xf32>
    %exp3A_204 = math.exp %neg3A_203 : vector<8x900xf32>
    %add3A_205 = arith.constant 1.000000e+00 : f32
    %add3A_206 = vector.broadcast %add3A_205 : f32 to vector<8x900xf32>
    %add3A_207 = arith.addf %add3A_206, %exp3A_204 : vector<8x900xf32>
    %max3A_208 = arith.constant 0.000000e+00 : f32
    %max3A_209 = vector.broadcast %max3A_208 : f32 to vector<8x900xf32>
    %max3A_210 = arith.maximumf %get3A_195, %max3A_209 : vector<8x900xf32>
    %log3A_211 = math.log %add3A_207 : vector<8x900xf32>
    %add3A_212 = arith.addf %max3A_210, %log3A_211 : vector<8x900xf32>
    %ge3A_213 = arith.constant 0.000000e+00 : f32
    %ge3A_214 = vector.broadcast %ge3A_213 : f32 to vector<8x900xf32>
    %ge3A_215 = arith.cmpf oge, %get3A_195, %ge3A_214 : vector<8x900xf32>
    %eq3A_216 = arith.xori %eq3A_199, %ge3A_215 : vector<8x900xi1>
    %eq3A_217 = arith.constant dense<true> : vector<8x900xi1>
    %eq3A_218 = arith.xori %eq3A_216, %eq3A_217 : vector<8x900xi1>
    %jit3A_219 = arith.constant 1.000000e+00 : f32
    %broadcast_in_dim3A_220 = vector.broadcast %jit3A_219 : f32 to vector<8x900xf32>
    %select_n3A_221 = arith.select %eq3A_218, %exp3A_204, %broadcast_in_dim3A_220 : vector<8x900xi1>, vector<8x900xf32>
    %jit3A_222 = arith.constant 5.000000e-01 : f32
    %jit3A_223 = arith.constant 0.866025388 : f32
    %broadcast_in_dim3A_224 = vector.broadcast %jit3A_222 : f32 to vector<8x900xf32>
    %broadcast_in_dim3A_225 = vector.broadcast %jit3A_223 : f32 to vector<8x900xf32>
    %select_n3A_226 = arith.select %eq3A_199, %broadcast_in_dim3A_224, %broadcast_in_dim3A_225 : vector<8x900xi1>, vector<8x900xf32>
    %mul3A_227 = arith.mulf %select_n3A_221, %select_n3A_226 : vector<8x900xf32>
    %jit3A_228 = arith.constant 0.000000e+00 : f32
    %broadcast_in_dim3A_229 = vector.broadcast %jit3A_228 : f32 to vector<8x900xf32>
    %select_n3A_230 = arith.select %eq3A_199, %get3A_195, %broadcast_in_dim3A_229 : vector<8x900xi1>, vector<8x900xf32>
    %sub3A_231 = arith.subf %add3A_212, %select_n3A_230 : vector<8x900xf32>
    %div3A_232 = arith.constant 1.000000e+00 : f32
    %div3A_233 = vector.broadcast %div3A_232 : f32 to vector<8x900xf32>
    %div3A_234 = arith.divf %div3A_233, %add3A_207 : vector<8x900xf32>
    %mul3A_235 = arith.mulf %mul3A_227, %mul3A_227 : vector<8x900xf32>
    %mul3A_236 = arith.mulf %div3A_234, %div3A_234 : vector<8x900xf32>
    %mul3A_237 = arith.mulf %sub3A_231, %mul3A_236 : vector<8x900xf32>
    %mul3A_238 = arith.mulf %mul3A_235, %mul3A_237 : vector<8x900xf32>
    %add3A_239 = arith.addf %add3A_190, %mul3A_238 : vector<8x900xf32>
    %get3A_240 = arith.constant 5 : index
    %get3A_241 = arith.constant 0 : index
    %get3A_242 = arith.constant 0 : index
    %get3A_243 = vector.load %arg1[%get3A_240, %get3A_241, %get3A_242] : memref<13x8x900xf32, #tpu.memory_space<vmem>>, vector<1x8x900xf32>
    %get3A_244 = vector.shape_cast %get3A_243 : vector<1x8x900xf32> to vector<8x900xf32>
    %add3A_245 = arith.constant 5 : i32
    %add3A_246 = arith.addi %mul3A_4, %add3A_245 : i32
    %eq3A_247 = vector.broadcast %add3A_246 : i32 to vector<8x900xi32>
    %eq3A_248 = arith.cmpi eq, %get3A_3, %eq3A_247 : vector<8x900xi32>
    %abs3A_249 = math.absf %get3A_244 : vector<8x900xf32>
    %neg3A_250 = arith.constant 0.000000e+00 : f32
    %neg3A_251 = vector.broadcast %neg3A_250 : f32 to vector<8x900xf32>
    %neg3A_252 = arith.subf %neg3A_251, %abs3A_249 : vector<8x900xf32>
    %exp3A_253 = math.exp %neg3A_252 : vector<8x900xf32>
    %add3A_254 = arith.constant 1.000000e+00 : f32
    %add3A_255 = vector.broadcast %add3A_254 : f32 to vector<8x900xf32>
    %add3A_256 = arith.addf %add3A_255, %exp3A_253 : vector<8x900xf32>
    %max3A_257 = arith.constant 0.000000e+00 : f32
    %max3A_258 = vector.broadcast %max3A_257 : f32 to vector<8x900xf32>
    %max3A_259 = arith.maximumf %get3A_244, %max3A_258 : vector<8x900xf32>
    %log3A_260 = math.log %add3A_256 : vector<8x900xf32>
    %add3A_261 = arith.addf %max3A_259, %log3A_260 : vector<8x900xf32>
    %ge3A_262 = arith.constant 0.000000e+00 : f32
    %ge3A_263 = vector.broadcast %ge3A_262 : f32 to vector<8x900xf32>
    %ge3A_264 = arith.cmpf oge, %get3A_244, %ge3A_263 : vector<8x900xf32>
    %eq3A_265 = arith.xori %eq3A_248, %ge3A_264 : vector<8x900xi1>
    %eq3A_266 = arith.constant dense<true> : vector<8x900xi1>
    %eq3A_267 = arith.xori %eq3A_265, %eq3A_266 : vector<8x900xi1>
    %jit3A_268 = arith.constant 1.000000e+00 : f32
    %broadcast_in_dim3A_269 = vector.broadcast %jit3A_268 : f32 to vector<8x900xf32>
    %select_n3A_270 = arith.select %eq3A_267, %exp3A_253, %broadcast_in_dim3A_269 : vector<8x900xi1>, vector<8x900xf32>
    %jit3A_271 = arith.constant 5.000000e-01 : f32
    %jit3A_272 = arith.constant 0.866025388 : f32
    %broadcast_in_dim3A_273 = vector.broadcast %jit3A_271 : f32 to vector<8x900xf32>
    %broadcast_in_dim3A_274 = vector.broadcast %jit3A_272 : f32 to vector<8x900xf32>
    %select_n3A_275 = arith.select %eq3A_248, %broadcast_in_dim3A_273, %broadcast_in_dim3A_274 : vector<8x900xi1>, vector<8x900xf32>
    %mul3A_276 = arith.mulf %select_n3A_270, %select_n3A_275 : vector<8x900xf32>
    %jit3A_277 = arith.constant 0.000000e+00 : f32
    %broadcast_in_dim3A_278 = vector.broadcast %jit3A_277 : f32 to vector<8x900xf32>
    %select_n3A_279 = arith.select %eq3A_248, %get3A_244, %broadcast_in_dim3A_278 : vector<8x900xi1>, vector<8x900xf32>
    %sub3A_280 = arith.subf %add3A_261, %select_n3A_279 : vector<8x900xf32>
    %div3A_281 = arith.constant 1.000000e+00 : f32
    %div3A_282 = vector.broadcast %div3A_281 : f32 to vector<8x900xf32>
    %div3A_283 = arith.divf %div3A_282, %add3A_256 : vector<8x900xf32>
    %mul3A_284 = arith.mulf %mul3A_276, %mul3A_276 : vector<8x900xf32>
    %mul3A_285 = arith.mulf %div3A_283, %div3A_283 : vector<8x900xf32>
    %mul3A_286 = arith.mulf %sub3A_280, %mul3A_285 : vector<8x900xf32>
    %mul3A_287 = arith.mulf %mul3A_284, %mul3A_286 : vector<8x900xf32>
    %add3A_288 = arith.addf %add3A_239, %mul3A_287 : vector<8x900xf32>
    %get3A_289 = arith.constant 6 : index
    %get3A_290 = arith.constant 0 : index
    %get3A_291 = arith.constant 0 : index
    %get3A_292 = vector.load %arg1[%get3A_289, %get3A_290, %get3A_291] : memref<13x8x900xf32, #tpu.memory_space<vmem>>, vector<1x8x900xf32>
    %get3A_293 = vector.shape_cast %get3A_292 : vector<1x8x900xf32> to vector<8x900xf32>
    %add3A_294 = arith.constant 6 : i32
    %add3A_295 = arith.addi %mul3A_4, %add3A_294 : i32
    %eq3A_296 = vector.broadcast %add3A_295 : i32 to vector<8x900xi32>
    %eq3A_297 = arith.cmpi eq, %get3A_3, %eq3A_296 : vector<8x900xi32>
    %abs3A_298 = math.absf %get3A_293 : vector<8x900xf32>
    %neg3A_299 = arith.constant 0.000000e+00 : f32
    %neg3A_300 = vector.broadcast %neg3A_299 : f32 to vector<8x900xf32>
    %neg3A_301 = arith.subf %neg3A_300, %abs3A_298 : vector<8x900xf32>
    %exp3A_302 = math.exp %neg3A_301 : vector<8x900xf32>
    %add3A_303 = arith.constant 1.000000e+00 : f32
    %add3A_304 = vector.broadcast %add3A_303 : f32 to vector<8x900xf32>
    %add3A_305 = arith.addf %add3A_304, %exp3A_302 : vector<8x900xf32>
    %max3A_306 = arith.constant 0.000000e+00 : f32
    %max3A_307 = vector.broadcast %max3A_306 : f32 to vector<8x900xf32>
    %max3A_308 = arith.maximumf %get3A_293, %max3A_307 : vector<8x900xf32>
    %log3A_309 = math.log %add3A_305 : vector<8x900xf32>
    %add3A_310 = arith.addf %max3A_308, %log3A_309 : vector<8x900xf32>
    %ge3A_311 = arith.constant 0.000000e+00 : f32
    %ge3A_312 = vector.broadcast %ge3A_311 : f32 to vector<8x900xf32>
    %ge3A_313 = arith.cmpf oge, %get3A_293, %ge3A_312 : vector<8x900xf32>
    %eq3A_314 = arith.xori %eq3A_297, %ge3A_313 : vector<8x900xi1>
    %eq3A_315 = arith.constant dense<true> : vector<8x900xi1>
    %eq3A_316 = arith.xori %eq3A_314, %eq3A_315 : vector<8x900xi1>
    %jit3A_317 = arith.constant 1.000000e+00 : f32
    %broadcast_in_dim3A_318 = vector.broadcast %jit3A_317 : f32 to vector<8x900xf32>
    %select_n3A_319 = arith.select %eq3A_316, %exp3A_302, %broadcast_in_dim3A_318 : vector<8x900xi1>, vector<8x900xf32>
    %jit3A_320 = arith.constant 5.000000e-01 : f32
    %jit3A_321 = arith.constant 0.866025388 : f32
    %broadcast_in_dim3A_322 = vector.broadcast %jit3A_320 : f32 to vector<8x900xf32>
    %broadcast_in_dim3A_323 = vector.broadcast %jit3A_321 : f32 to vector<8x900xf32>
    %select_n3A_324 = arith.select %eq3A_297, %broadcast_in_dim3A_322, %broadcast_in_dim3A_323 : vector<8x900xi1>, vector<8x900xf32>
    %mul3A_325 = arith.mulf %select_n3A_319, %select_n3A_324 : vector<8x900xf32>
    %jit3A_326 = arith.constant 0.000000e+00 : f32
    %broadcast_in_dim3A_327 = vector.broadcast %jit3A_326 : f32 to vector<8x900xf32>
    %select_n3A_328 = arith.select %eq3A_297, %get3A_293, %broadcast_in_dim3A_327 : vector<8x900xi1>, vector<8x900xf32>
    %sub3A_329 = arith.subf %add3A_310, %select_n3A_328 : vector<8x900xf32>
    %div3A_330 = arith.constant 1.000000e+00 : f32
    %div3A_331 = vector.broadcast %div3A_330 : f32 to vector<8x900xf32>
    %div3A_332 = arith.divf %div3A_331, %add3A_305 : vector<8x900xf32>
    %mul3A_333 = arith.mulf %mul3A_325, %mul3A_325 : vector<8x900xf32>
    %mul3A_334 = arith.mulf %div3A_332, %div3A_332 : vector<8x900xf32>
    %mul3A_335 = arith.mulf %sub3A_329, %mul3A_334 : vector<8x900xf32>
    %mul3A_336 = arith.mulf %mul3A_333, %mul3A_335 : vector<8x900xf32>
    %add3A_337 = arith.addf %add3A_288, %mul3A_336 : vector<8x900xf32>
    %get3A_338 = arith.constant 7 : index
    %get3A_339 = arith.constant 0 : index
    %get3A_340 = arith.constant 0 : index
    %get3A_341 = vector.load %arg1[%get3A_338, %get3A_339, %get3A_340] : memref<13x8x900xf32, #tpu.memory_space<vmem>>, vector<1x8x900xf32>
    %get3A_342 = vector.shape_cast %get3A_341 : vector<1x8x900xf32> to vector<8x900xf32>
    %add3A_343 = arith.constant 7 : i32
    %add3A_344 = arith.addi %mul3A_4, %add3A_343 : i32
    %eq3A_345 = vector.broadcast %add3A_344 : i32 to vector<8x900xi32>
    %eq3A_346 = arith.cmpi eq, %get3A_3, %eq3A_345 : vector<8x900xi32>
    %abs3A_347 = math.absf %get3A_342 : vector<8x900xf32>
    %neg3A_348 = arith.constant 0.000000e+00 : f32
    %neg3A_349 = vector.broadcast %neg3A_348 : f32 to vector<8x900xf32>
    %neg3A_350 = arith.subf %neg3A_349, %abs3A_347 : vector<8x900xf32>
    %exp3A_351 = math.exp %neg3A_350 : vector<8x900xf32>
    %add3A_352 = arith.constant 1.000000e+00 : f32
    %add3A_353 = vector.broadcast %add3A_352 : f32 to vector<8x900xf32>
    %add3A_354 = arith.addf %add3A_353, %exp3A_351 : vector<8x900xf32>
    %max3A_355 = arith.constant 0.000000e+00 : f32
    %max3A_356 = vector.broadcast %max3A_355 : f32 to vector<8x900xf32>
    %max3A_357 = arith.maximumf %get3A_342, %max3A_356 : vector<8x900xf32>
    %log3A_358 = math.log %add3A_354 : vector<8x900xf32>
    %add3A_359 = arith.addf %max3A_357, %log3A_358 : vector<8x900xf32>
    %ge3A_360 = arith.constant 0.000000e+00 : f32
    %ge3A_361 = vector.broadcast %ge3A_360 : f32 to vector<8x900xf32>
    %ge3A_362 = arith.cmpf oge, %get3A_342, %ge3A_361 : vector<8x900xf32>
    %eq3A_363 = arith.xori %eq3A_346, %ge3A_362 : vector<8x900xi1>
    %eq3A_364 = arith.constant dense<true> : vector<8x900xi1>
    %eq3A_365 = arith.xori %eq3A_363, %eq3A_364 : vector<8x900xi1>
    %jit3A_366 = arith.constant 1.000000e+00 : f32
    %broadcast_in_dim3A_367 = vector.broadcast %jit3A_366 : f32 to vector<8x900xf32>
    %select_n3A_368 = arith.select %eq3A_365, %exp3A_351, %broadcast_in_dim3A_367 : vector<8x900xi1>, vector<8x900xf32>
    %jit3A_369 = arith.constant 5.000000e-01 : f32
    %jit3A_370 = arith.constant 0.866025388 : f32
    %broadcast_in_dim3A_371 = vector.broadcast %jit3A_369 : f32 to vector<8x900xf32>
    %broadcast_in_dim3A_372 = vector.broadcast %jit3A_370 : f32 to vector<8x900xf32>
    %select_n3A_373 = arith.select %eq3A_346, %broadcast_in_dim3A_371, %broadcast_in_dim3A_372 : vector<8x900xi1>, vector<8x900xf32>
    %mul3A_374 = arith.mulf %select_n3A_368, %select_n3A_373 : vector<8x900xf32>
    %jit3A_375 = arith.constant 0.000000e+00 : f32
    %broadcast_in_dim3A_376 = vector.broadcast %jit3A_375 : f32 to vector<8x900xf32>
    %select_n3A_377 = arith.select %eq3A_346, %get3A_342, %broadcast_in_dim3A_376 : vector<8x900xi1>, vector<8x900xf32>
    %sub3A_378 = arith.subf %add3A_359, %select_n3A_377 : vector<8x900xf32>
    %div3A_379 = arith.constant 1.000000e+00 : f32
    %div3A_380 = vector.broadcast %div3A_379 : f32 to vector<8x900xf32>
    %div3A_381 = arith.divf %div3A_380, %add3A_354 : vector<8x900xf32>
    %mul3A_382 = arith.mulf %mul3A_374, %mul3A_374 : vector<8x900xf32>
    %mul3A_383 = arith.mulf %div3A_381, %div3A_381 : vector<8x900xf32>
    %mul3A_384 = arith.mulf %sub3A_378, %mul3A_383 : vector<8x900xf32>
    %mul3A_385 = arith.mulf %mul3A_382, %mul3A_384 : vector<8x900xf32>
    %add3A_386 = arith.addf %add3A_337, %mul3A_385 : vector<8x900xf32>
    %get3A_387 = arith.constant 8 : index
    %get3A_388 = arith.constant 0 : index
    %get3A_389 = arith.constant 0 : index
    %get3A_390 = vector.load %arg1[%get3A_387, %get3A_388, %get3A_389] : memref<13x8x900xf32, #tpu.memory_space<vmem>>, vector<1x8x900xf32>
    %get3A_391 = vector.shape_cast %get3A_390 : vector<1x8x900xf32> to vector<8x900xf32>
    %add3A_392 = arith.constant 8 : i32
    %add3A_393 = arith.addi %mul3A_4, %add3A_392 : i32
    %eq3A_394 = vector.broadcast %add3A_393 : i32 to vector<8x900xi32>
    %eq3A_395 = arith.cmpi eq, %get3A_3, %eq3A_394 : vector<8x900xi32>
    %abs3A_396 = math.absf %get3A_391 : vector<8x900xf32>
    %neg3A_397 = arith.constant 0.000000e+00 : f32
    %neg3A_398 = vector.broadcast %neg3A_397 : f32 to vector<8x900xf32>
    %neg3A_399 = arith.subf %neg3A_398, %abs3A_396 : vector<8x900xf32>
    %exp3A_400 = math.exp %neg3A_399 : vector<8x900xf32>
    %add3A_401 = arith.constant 1.000000e+00 : f32
    %add3A_402 = vector.broadcast %add3A_401 : f32 to vector<8x900xf32>
    %add3A_403 = arith.addf %add3A_402, %exp3A_400 : vector<8x900xf32>
    %max3A_404 = arith.constant 0.000000e+00 : f32
    %max3A_405 = vector.broadcast %max3A_404 : f32 to vector<8x900xf32>
    %max3A_406 = arith.maximumf %get3A_391, %max3A_405 : vector<8x900xf32>
    %log3A_407 = math.log %add3A_403 : vector<8x900xf32>
    %add3A_408 = arith.addf %max3A_406, %log3A_407 : vector<8x900xf32>
    %ge3A_409 = arith.constant 0.000000e+00 : f32
    %ge3A_410 = vector.broadcast %ge3A_409 : f32 to vector<8x900xf32>
    %ge3A_411 = arith.cmpf oge, %get3A_391, %ge3A_410 : vector<8x900xf32>
    %eq3A_412 = arith.xori %eq3A_395, %ge3A_411 : vector<8x900xi1>
    %eq3A_413 = arith.constant dense<true> : vector<8x900xi1>
    %eq3A_414 = arith.xori %eq3A_412, %eq3A_413 : vector<8x900xi1>
    %jit3A_415 = arith.constant 1.000000e+00 : f32
    %broadcast_in_dim3A_416 = vector.broadcast %jit3A_415 : f32 to vector<8x900xf32>
    %select_n3A_417 = arith.select %eq3A_414, %exp3A_400, %broadcast_in_dim3A_416 : vector<8x900xi1>, vector<8x900xf32>
    %jit3A_418 = arith.constant 5.000000e-01 : f32
    %jit3A_419 = arith.constant 0.866025388 : f32
    %broadcast_in_dim3A_420 = vector.broadcast %jit3A_418 : f32 to vector<8x900xf32>
    %broadcast_in_dim3A_421 = vector.broadcast %jit3A_419 : f32 to vector<8x900xf32>
    %select_n3A_422 = arith.select %eq3A_395, %broadcast_in_dim3A_420, %broadcast_in_dim3A_421 : vector<8x900xi1>, vector<8x900xf32>
    %mul3A_423 = arith.mulf %select_n3A_417, %select_n3A_422 : vector<8x900xf32>
    %jit3A_424 = arith.constant 0.000000e+00 : f32
    %broadcast_in_dim3A_425 = vector.broadcast %jit3A_424 : f32 to vector<8x900xf32>
    %select_n3A_426 = arith.select %eq3A_395, %get3A_391, %broadcast_in_dim3A_425 : vector<8x900xi1>, vector<8x900xf32>
    %sub3A_427 = arith.subf %add3A_408, %select_n3A_426 : vector<8x900xf32>
    %div3A_428 = arith.constant 1.000000e+00 : f32
    %div3A_429 = vector.broadcast %div3A_428 : f32 to vector<8x900xf32>
    %div3A_430 = arith.divf %div3A_429, %add3A_403 : vector<8x900xf32>
    %mul3A_431 = arith.mulf %mul3A_423, %mul3A_423 : vector<8x900xf32>
    %mul3A_432 = arith.mulf %div3A_430, %div3A_430 : vector<8x900xf32>
    %mul3A_433 = arith.mulf %sub3A_427, %mul3A_432 : vector<8x900xf32>
    %mul3A_434 = arith.mulf %mul3A_431, %mul3A_433 : vector<8x900xf32>
    %add3A_435 = arith.addf %add3A_386, %mul3A_434 : vector<8x900xf32>
    %get3A_436 = arith.constant 9 : index
    %get3A_437 = arith.constant 0 : index
    %get3A_438 = arith.constant 0 : index
    %get3A_439 = vector.load %arg1[%get3A_436, %get3A_437, %get3A_438] : memref<13x8x900xf32, #tpu.memory_space<vmem>>, vector<1x8x900xf32>
    %get3A_440 = vector.shape_cast %get3A_439 : vector<1x8x900xf32> to vector<8x900xf32>
    %add3A_441 = arith.constant 9 : i32
    %add3A_442 = arith.addi %mul3A_4, %add3A_441 : i32
    %eq3A_443 = vector.broadcast %add3A_442 : i32 to vector<8x900xi32>
    %eq3A_444 = arith.cmpi eq, %get3A_3, %eq3A_443 : vector<8x900xi32>
    %abs3A_445 = math.absf %get3A_440 : vector<8x900xf32>
    %neg3A_446 = arith.constant 0.000000e+00 : f32
    %neg3A_447 = vector.broadcast %neg3A_446 : f32 to vector<8x900xf32>
    %neg3A_448 = arith.subf %neg3A_447, %abs3A_445 : vector<8x900xf32>
    %exp3A_449 = math.exp %neg3A_448 : vector<8x900xf32>
    %add3A_450 = arith.constant 1.000000e+00 : f32
    %add3A_451 = vector.broadcast %add3A_450 : f32 to vector<8x900xf32>
    %add3A_452 = arith.addf %add3A_451, %exp3A_449 : vector<8x900xf32>
    %max3A_453 = arith.constant 0.000000e+00 : f32
    %max3A_454 = vector.broadcast %max3A_453 : f32 to vector<8x900xf32>
    %max3A_455 = arith.maximumf %get3A_440, %max3A_454 : vector<8x900xf32>
    %log3A_456 = math.log %add3A_452 : vector<8x900xf32>
    %add3A_457 = arith.addf %max3A_455, %log3A_456 : vector<8x900xf32>
    %ge3A_458 = arith.constant 0.000000e+00 : f32
    %ge3A_459 = vector.broadcast %ge3A_458 : f32 to vector<8x900xf32>
    %ge3A_460 = arith.cmpf oge, %get3A_440, %ge3A_459 : vector<8x900xf32>
    %eq3A_461 = arith.xori %eq3A_444, %ge3A_460 : vector<8x900xi1>
    %eq3A_462 = arith.constant dense<true> : vector<8x900xi1>
    %eq3A_463 = arith.xori %eq3A_461, %eq3A_462 : vector<8x900xi1>
    %jit3A_464 = arith.constant 1.000000e+00 : f32
    %broadcast_in_dim3A_465 = vector.broadcast %jit3A_464 : f32 to vector<8x900xf32>
    %select_n3A_466 = arith.select %eq3A_463, %exp3A_449, %broadcast_in_dim3A_465 : vector<8x900xi1>, vector<8x900xf32>
    %jit3A_467 = arith.constant 5.000000e-01 : f32
    %jit3A_468 = arith.constant 0.866025388 : f32
    %broadcast_in_dim3A_469 = vector.broadcast %jit3A_467 : f32 to vector<8x900xf32>
    %broadcast_in_dim3A_470 = vector.broadcast %jit3A_468 : f32 to vector<8x900xf32>
    %select_n3A_471 = arith.select %eq3A_444, %broadcast_in_dim3A_469, %broadcast_in_dim3A_470 : vector<8x900xi1>, vector<8x900xf32>
    %mul3A_472 = arith.mulf %select_n3A_466, %select_n3A_471 : vector<8x900xf32>
    %jit3A_473 = arith.constant 0.000000e+00 : f32
    %broadcast_in_dim3A_474 = vector.broadcast %jit3A_473 : f32 to vector<8x900xf32>
    %select_n3A_475 = arith.select %eq3A_444, %get3A_440, %broadcast_in_dim3A_474 : vector<8x900xi1>, vector<8x900xf32>
    %sub3A_476 = arith.subf %add3A_457, %select_n3A_475 : vector<8x900xf32>
    %div3A_477 = arith.constant 1.000000e+00 : f32
    %div3A_478 = vector.broadcast %div3A_477 : f32 to vector<8x900xf32>
    %div3A_479 = arith.divf %div3A_478, %add3A_452 : vector<8x900xf32>
    %mul3A_480 = arith.mulf %mul3A_472, %mul3A_472 : vector<8x900xf32>
    %mul3A_481 = arith.mulf %div3A_479, %div3A_479 : vector<8x900xf32>
    %mul3A_482 = arith.mulf %sub3A_476, %mul3A_481 : vector<8x900xf32>
    %mul3A_483 = arith.mulf %mul3A_480, %mul3A_482 : vector<8x900xf32>
    %add3A_484 = arith.addf %add3A_435, %mul3A_483 : vector<8x900xf32>
    %get3A_485 = arith.constant 10 : index
    %get3A_486 = arith.constant 0 : index
    %get3A_487 = arith.constant 0 : index
    %get3A_488 = vector.load %arg1[%get3A_485, %get3A_486, %get3A_487] : memref<13x8x900xf32, #tpu.memory_space<vmem>>, vector<1x8x900xf32>
    %get3A_489 = vector.shape_cast %get3A_488 : vector<1x8x900xf32> to vector<8x900xf32>
    %add3A_490 = arith.constant 10 : i32
    %add3A_491 = arith.addi %mul3A_4, %add3A_490 : i32
    %eq3A_492 = vector.broadcast %add3A_491 : i32 to vector<8x900xi32>
    %eq3A_493 = arith.cmpi eq, %get3A_3, %eq3A_492 : vector<8x900xi32>
    %abs3A_494 = math.absf %get3A_489 : vector<8x900xf32>
    %neg3A_495 = arith.constant 0.000000e+00 : f32
    %neg3A_496 = vector.broadcast %neg3A_495 : f32 to vector<8x900xf32>
    %neg3A_497 = arith.subf %neg3A_496, %abs3A_494 : vector<8x900xf32>
    %exp3A_498 = math.exp %neg3A_497 : vector<8x900xf32>
    %add3A_499 = arith.constant 1.000000e+00 : f32
    %add3A_500 = vector.broadcast %add3A_499 : f32 to vector<8x900xf32>
    %add3A_501 = arith.addf %add3A_500, %exp3A_498 : vector<8x900xf32>
    %max3A_502 = arith.constant 0.000000e+00 : f32
    %max3A_503 = vector.broadcast %max3A_502 : f32 to vector<8x900xf32>
    %max3A_504 = arith.maximumf %get3A_489, %max3A_503 : vector<8x900xf32>
    %log3A_505 = math.log %add3A_501 : vector<8x900xf32>
    %add3A_506 = arith.addf %max3A_504, %log3A_505 : vector<8x900xf32>
    %ge3A_507 = arith.constant 0.000000e+00 : f32
    %ge3A_508 = vector.broadcast %ge3A_507 : f32 to vector<8x900xf32>
    %ge3A_509 = arith.cmpf oge, %get3A_489, %ge3A_508 : vector<8x900xf32>
    %eq3A_510 = arith.xori %eq3A_493, %ge3A_509 : vector<8x900xi1>
    %eq3A_511 = arith.constant dense<true> : vector<8x900xi1>
    %eq3A_512 = arith.xori %eq3A_510, %eq3A_511 : vector<8x900xi1>
    %jit3A_513 = arith.constant 1.000000e+00 : f32
    %broadcast_in_dim3A_514 = vector.broadcast %jit3A_513 : f32 to vector<8x900xf32>
    %select_n3A_515 = arith.select %eq3A_512, %exp3A_498, %broadcast_in_dim3A_514 : vector<8x900xi1>, vector<8x900xf32>
    %jit3A_516 = arith.constant 5.000000e-01 : f32
    %jit3A_517 = arith.constant 0.866025388 : f32
    %broadcast_in_dim3A_518 = vector.broadcast %jit3A_516 : f32 to vector<8x900xf32>
    %broadcast_in_dim3A_519 = vector.broadcast %jit3A_517 : f32 to vector<8x900xf32>
    %select_n3A_520 = arith.select %eq3A_493, %broadcast_in_dim3A_518, %broadcast_in_dim3A_519 : vector<8x900xi1>, vector<8x900xf32>
    %mul3A_521 = arith.mulf %select_n3A_515, %select_n3A_520 : vector<8x900xf32>
    %jit3A_522 = arith.constant 0.000000e+00 : f32
    %broadcast_in_dim3A_523 = vector.broadcast %jit3A_522 : f32 to vector<8x900xf32>
    %select_n3A_524 = arith.select %eq3A_493, %get3A_489, %broadcast_in_dim3A_523 : vector<8x900xi1>, vector<8x900xf32>
    %sub3A_525 = arith.subf %add3A_506, %select_n3A_524 : vector<8x900xf32>
    %div3A_526 = arith.constant 1.000000e+00 : f32
    %div3A_527 = vector.broadcast %div3A_526 : f32 to vector<8x900xf32>
    %div3A_528 = arith.divf %div3A_527, %add3A_501 : vector<8x900xf32>
    %mul3A_529 = arith.mulf %mul3A_521, %mul3A_521 : vector<8x900xf32>
    %mul3A_530 = arith.mulf %div3A_528, %div3A_528 : vector<8x900xf32>
    %mul3A_531 = arith.mulf %sub3A_525, %mul3A_530 : vector<8x900xf32>
    %mul3A_532 = arith.mulf %mul3A_529, %mul3A_531 : vector<8x900xf32>
    %add3A_533 = arith.addf %add3A_484, %mul3A_532 : vector<8x900xf32>
    %get3A_534 = arith.constant 11 : index
    %get3A_535 = arith.constant 0 : index
    %get3A_536 = arith.constant 0 : index
    %get3A_537 = vector.load %arg1[%get3A_534, %get3A_535, %get3A_536] : memref<13x8x900xf32, #tpu.memory_space<vmem>>, vector<1x8x900xf32>
    %get3A_538 = vector.shape_cast %get3A_537 : vector<1x8x900xf32> to vector<8x900xf32>
    %add3A_539 = arith.constant 11 : i32
    %add3A_540 = arith.addi %mul3A_4, %add3A_539 : i32
    %eq3A_541 = vector.broadcast %add3A_540 : i32 to vector<8x900xi32>
    %eq3A_542 = arith.cmpi eq, %get3A_3, %eq3A_541 : vector<8x900xi32>
    %abs3A_543 = math.absf %get3A_538 : vector<8x900xf32>
    %neg3A_544 = arith.constant 0.000000e+00 : f32
    %neg3A_545 = vector.broadcast %neg3A_544 : f32 to vector<8x900xf32>
    %neg3A_546 = arith.subf %neg3A_545, %abs3A_543 : vector<8x900xf32>
    %exp3A_547 = math.exp %neg3A_546 : vector<8x900xf32>
    %add3A_548 = arith.constant 1.000000e+00 : f32
    %add3A_549 = vector.broadcast %add3A_548 : f32 to vector<8x900xf32>
    %add3A_550 = arith.addf %add3A_549, %exp3A_547 : vector<8x900xf32>
    %max3A_551 = arith.constant 0.000000e+00 : f32
    %max3A_552 = vector.broadcast %max3A_551 : f32 to vector<8x900xf32>
    %max3A_553 = arith.maximumf %get3A_538, %max3A_552 : vector<8x900xf32>
    %log3A_554 = math.log %add3A_550 : vector<8x900xf32>
    %add3A_555 = arith.addf %max3A_553, %log3A_554 : vector<8x900xf32>
    %ge3A_556 = arith.constant 0.000000e+00 : f32
    %ge3A_557 = vector.broadcast %ge3A_556 : f32 to vector<8x900xf32>
    %ge3A_558 = arith.cmpf oge, %get3A_538, %ge3A_557 : vector<8x900xf32>
    %eq3A_559 = arith.xori %eq3A_542, %ge3A_558 : vector<8x900xi1>
    %eq3A_560 = arith.constant dense<true> : vector<8x900xi1>
    %eq3A_561 = arith.xori %eq3A_559, %eq3A_560 : vector<8x900xi1>
    %jit3A_562 = arith.constant 1.000000e+00 : f32
    %broadcast_in_dim3A_563 = vector.broadcast %jit3A_562 : f32 to vector<8x900xf32>
    %select_n3A_564 = arith.select %eq3A_561, %exp3A_547, %broadcast_in_dim3A_563 : vector<8x900xi1>, vector<8x900xf32>
    %jit3A_565 = arith.constant 5.000000e-01 : f32
    %jit3A_566 = arith.constant 0.866025388 : f32
    %broadcast_in_dim3A_567 = vector.broadcast %jit3A_565 : f32 to vector<8x900xf32>
    %broadcast_in_dim3A_568 = vector.broadcast %jit3A_566 : f32 to vector<8x900xf32>
    %select_n3A_569 = arith.select %eq3A_542, %broadcast_in_dim3A_567, %broadcast_in_dim3A_568 : vector<8x900xi1>, vector<8x900xf32>
    %mul3A_570 = arith.mulf %select_n3A_564, %select_n3A_569 : vector<8x900xf32>
    %jit3A_571 = arith.constant 0.000000e+00 : f32
    %broadcast_in_dim3A_572 = vector.broadcast %jit3A_571 : f32 to vector<8x900xf32>
    %select_n3A_573 = arith.select %eq3A_542, %get3A_538, %broadcast_in_dim3A_572 : vector<8x900xi1>, vector<8x900xf32>
    %sub3A_574 = arith.subf %add3A_555, %select_n3A_573 : vector<8x900xf32>
    %div3A_575 = arith.constant 1.000000e+00 : f32
    %div3A_576 = vector.broadcast %div3A_575 : f32 to vector<8x900xf32>
    %div3A_577 = arith.divf %div3A_576, %add3A_550 : vector<8x900xf32>
    %mul3A_578 = arith.mulf %mul3A_570, %mul3A_570 : vector<8x900xf32>
    %mul3A_579 = arith.mulf %div3A_577, %div3A_577 : vector<8x900xf32>
    %mul3A_580 = arith.mulf %sub3A_574, %mul3A_579 : vector<8x900xf32>
    %mul3A_581 = arith.mulf %mul3A_578, %mul3A_580 : vector<8x900xf32>
    %add3A_582 = arith.addf %add3A_533, %mul3A_581 : vector<8x900xf32>
    %get3A_583 = arith.constant 12 : index
    %get3A_584 = arith.constant 0 : index
    %get3A_585 = arith.constant 0 : index
    %get3A_586 = vector.load %arg1[%get3A_583, %get3A_584, %get3A_585] : memref<13x8x900xf32, #tpu.memory_space<vmem>>, vector<1x8x900xf32>
    %get3A_587 = vector.shape_cast %get3A_586 : vector<1x8x900xf32> to vector<8x900xf32>
    %add3A_588 = arith.constant 12 : i32
    %add3A_589 = arith.addi %mul3A_4, %add3A_588 : i32
    %eq3A_590 = vector.broadcast %add3A_589 : i32 to vector<8x900xi32>
    %eq3A_591 = arith.cmpi eq, %get3A_3, %eq3A_590 : vector<8x900xi32>
    %abs3A_592 = math.absf %get3A_587 : vector<8x900xf32>
    %neg3A_593 = arith.constant 0.000000e+00 : f32
    %neg3A_594 = vector.broadcast %neg3A_593 : f32 to vector<8x900xf32>
    %neg3A_595 = arith.subf %neg3A_594, %abs3A_592 : vector<8x900xf32>
    %exp3A_596 = math.exp %neg3A_595 : vector<8x900xf32>
    %add3A_597 = arith.constant 1.000000e+00 : f32
    %add3A_598 = vector.broadcast %add3A_597 : f32 to vector<8x900xf32>
    %add3A_599 = arith.addf %add3A_598, %exp3A_596 : vector<8x900xf32>
    %max3A_600 = arith.constant 0.000000e+00 : f32
    %max3A_601 = vector.broadcast %max3A_600 : f32 to vector<8x900xf32>
    %max3A_602 = arith.maximumf %get3A_587, %max3A_601 : vector<8x900xf32>
    %log3A_603 = math.log %add3A_599 : vector<8x900xf32>
    %add3A_604 = arith.addf %max3A_602, %log3A_603 : vector<8x900xf32>
    %ge3A_605 = arith.constant 0.000000e+00 : f32
    %ge3A_606 = vector.broadcast %ge3A_605 : f32 to vector<8x900xf32>
    %ge3A_607 = arith.cmpf oge, %get3A_587, %ge3A_606 : vector<8x900xf32>
    %eq3A_608 = arith.xori %eq3A_591, %ge3A_607 : vector<8x900xi1>
    %eq3A_609 = arith.constant dense<true> : vector<8x900xi1>
    %eq3A_610 = arith.xori %eq3A_608, %eq3A_609 : vector<8x900xi1>
    %jit3A_611 = arith.constant 1.000000e+00 : f32
    %broadcast_in_dim3A_612 = vector.broadcast %jit3A_611 : f32 to vector<8x900xf32>
    %select_n3A_613 = arith.select %eq3A_610, %exp3A_596, %broadcast_in_dim3A_612 : vector<8x900xi1>, vector<8x900xf32>
    %jit3A_614 = arith.constant 5.000000e-01 : f32
    %jit3A_615 = arith.constant 0.866025388 : f32
    %broadcast_in_dim3A_616 = vector.broadcast %jit3A_614 : f32 to vector<8x900xf32>
    %broadcast_in_dim3A_617 = vector.broadcast %jit3A_615 : f32 to vector<8x900xf32>
    %select_n3A_618 = arith.select %eq3A_591, %broadcast_in_dim3A_616, %broadcast_in_dim3A_617 : vector<8x900xi1>, vector<8x900xf32>
    %mul3A_619 = arith.mulf %select_n3A_613, %select_n3A_618 : vector<8x900xf32>
    %jit3A_620 = arith.constant 0.000000e+00 : f32
    %broadcast_in_dim3A_621 = vector.broadcast %jit3A_620 : f32 to vector<8x900xf32>
    %select_n3A_622 = arith.select %eq3A_591, %get3A_587, %broadcast_in_dim3A_621 : vector<8x900xi1>, vector<8x900xf32>
    %sub3A_623 = arith.subf %add3A_604, %select_n3A_622 : vector<8x900xf32>
    %div3A_624 = arith.constant 1.000000e+00 : f32
    %div3A_625 = vector.broadcast %div3A_624 : f32 to vector<8x900xf32>
    %div3A_626 = arith.divf %div3A_625, %add3A_599 : vector<8x900xf32>
    %mul3A_627 = arith.mulf %mul3A_619, %mul3A_619 : vector<8x900xf32>
    %mul3A_628 = arith.mulf %div3A_626, %div3A_626 : vector<8x900xf32>
    %mul3A_629 = arith.mulf %sub3A_623, %mul3A_628 : vector<8x900xf32>
    %mul3A_630 = arith.mulf %mul3A_627, %mul3A_629 : vector<8x900xf32>
    %add3A_631 = arith.addf %add3A_582, %mul3A_630 : vector<8x900xf32>
    %get3A_632 = arith.constant 0 : index
    %get3A_633 = arith.constant 0 : index
    %get3A_634 = vector.load %arg4[%get3A_632, %get3A_633] : memref<1x128xf32, #tpu.memory_space<vmem>>, vector<1x128xf32>
    %reduce_sum3A = vector.shape_cast %add3A_631 : vector<8x900xf32> to vector<1x8x900xf32>
    %reduce_sum3A_635 = arith.constant dense<0.000000e+00> : vector<1xf32>
    %reduce_sum3A_636 = vector.multi_reduction <add>, %reduce_sum3A, %reduce_sum3A_635 [1, 2] : vector<1x8x900xf32> to vector<1xf32>
    %reduce_sum3A_637 = vector.shape_cast %reduce_sum3A_636 : vector<1xf32> to vector<1x1x1xf32>
    %reduce_sum3A_638 = vector.extract %reduce_sum3A_637[0, 0, 0] : f32 from vector<1x1x1xf32>
    %broadcast_in_dim3A_639 = arith.constant 0.000000e+00 : f32
    %broadcast_in_dim3A_640 = vector.broadcast %broadcast_in_dim3A_639 : f32 to vector<1x128xf32>
    %add3A_641 = vector.broadcast %reduce_sum3A_638 : f32 to vector<1x128xf32>
    %add3A_642 = arith.addf %add3A_641, %broadcast_in_dim3A_640 : vector<1x128xf32>
    %add3A_643 = arith.addf %get3A_634, %add3A_642 : vector<1x128xf32>
    %swap3A = arith.constant 0 : index
    %swap3A_644 = arith.constant 0 : index
    %swap3A_645 = vector.load %arg4[%swap3A, %swap3A_644] : memref<1x128xf32, #tpu.memory_space<vmem>>, vector<1x128xf32>
    tpu.vector_store %arg4[%swap3A, %swap3A_644], %add3A_643 {strides = array<i32>} : memref<1x128xf32, #tpu.memory_space<vmem>>, vector<1x128xf32>,
    return
  }
  func.func @transform_0(%arg0: i32) -> (i32, i32, i32) {
    %c0_i32 = arith.constant 0 : i32
    %c0_i32_0 = arith.constant 0 : i32
    %c0_i32_1 = arith.constant 0 : i32
    return %arg0, %c0_i32, %c0_i32_0 : i32, i32, i32
  }
  func.func @transform_1(%arg0: i32) -> (i32, i32) {
    %c0_i32 = arith.constant 0 : i32
    %c0_i32_0 = arith.constant 0 : i32
    %c0_i32_1 = arith.constant 0 : i32
    return %c0_i32, %c0_i32_0 : i32, i32
  }
  func.func @transform_2(%arg0: i32) -> (i32, i32) {
    %c0_i32 = arith.constant 0 : i32
    %c0_i32_0 = arith.constant 0 : i32
    %c0_i32_1 = arith.constant 0 : i32
    return %c0_i32, %c0_i32_0 : i32, i32
  }
  func.func @transform_3(%arg0: i32) -> (i32, i32) {
    %c0_i32 = arith.constant 0 : i32
    %c0_i32_0 = arith.constant 0 : i32
    %c0_i32_1 = arith.constant 0 : i32
    return %c0_i32, %c0_i32_0 : i32, i32
  }
}

</mosaic_0001>

<sc_bundles>
// kernel: kernel.4.cloned.1.call-start
scs
__scs_entry_jumppad:
0x0: {  	(pc) =	sbr.rel $0x88, $3  }
0x1: {  	(tag) =	ssettag $0x0;
	lr =	simm.s32 $0x1  }
0x2: {  	[smem:$0x3F9C] =	sst lr;
	_ =	strace $0xD0000000  }
0x3: {  	_ = 	snop  }
0x4: {  	_ = 	snop  }
0x5: {  	_ = 	snop  }
0x6: {  	_ = 	snop  }
0x7: {  	_ = 	snop  }
__scs_overlays_trampoline_lowered:
0x8: {  	[smem:$0x3FAB] =	sst s0  }
0x9: {  	[smem:$0x3FAC] =	sst s1  }
0xa: {  	[smem:$0x3FAD] =	sst s2  }
0xb: {  	[smem:$0x3FAE] =	sst s3  }
0xc: {  	[smem:$0x3FAF] =	sst s4  }
0xd: {  	[smem:$0x3FB0] =	sst s5  }
0xe: {  	[smem:$0x3FB1] =	sst s6  }
0xf: {  	[smem:$0x3FB2] =	sst s7  }
0x10: {  	[smem:$0x3FB3] =	sst s8  }
0x11: {  	[smem:$0x3FB4] =	sst s9;
	s0 =	simm.s32 @!p0 $0x0  }
0x12: {  	s1 =	sld [smem:$0x3F9A];
	s0 =	simm.s32 @p0 $0x1  }
0x13: {  	[smem:$0x3FB5] =	sst s0;
	s0 =	simm.s32 @!p1 $0x0  }
0x14: {  	s2 =	sld [smem:$0x3F99];
	s0 =	simm.s32 @p1 $0x1  }
0x15: {  	[smem:$0x3FB6] =	sst s0;
	s0 =	simm.s32 @!p2 $0x0  }
0x16: {  	s3 =	sld [smem:$0x3FDB];
	s0 =	simm.s32 @p2 $0x1  }
0x17: {  	s4 =	simm.s32 $0x1BF5;
	[smem:$0x3FB8] =	sst s0  }
0x18: {  	s0 =	sld [smem:$0x3F9B];
	_ =	swait.ge [sflag:s4], $0x0  }
0x19: {  	s7 =	sld [smem:$0x3F9C]  }
0x1a: {  	s8 =	sadd.s32 $0xFFFFE003, lr  }
0x1b: {  	s9 =	sadd.s32 $0xFFFFFEF7, lr;
	s5 =	simm.s32 $0xFFFFFFFF;
	p2 =	slt.u32 s8, $0xFFFFF086  }
0x1c: {  	p1 =	slt.u32 s9, $0xF7A;
	s5 =	simm.s32 @!p2 $0x0  }
0x1d: {  	s5 =	simm.s32 @p1 $0x1;
	p0 =	seq.s32 s7, s2  }
0x1e: {  	s7 =	smul.u32 @!p0 $0xF7A, s2;
	p2 =	seq.s32 @!p0 s5, $0x0  }
0x1f: {  	s9 =	smul.u32 $0xF7A, s1;
	s8 =	simm.s32 @!p0 $0x1BF5;
	p2 =	por !p2, p0  }
0x20: {  	[sflag:s8] =	ssyncset.s32 @!p0 $0xFFFFF086;
	s6 =	sadd.s32 @!p0 s3, s7;
	s7 =	simm.s32 @!p0 $0x108  }
0x21: {  	s3 =	sadd.s32 s3, s9;
	s6 =	sadd.s32 @!p0 $0x88, s6;
	s7 =	simm.s32 @p2 $0x1082  }
0x22: {  	[simem:s7], [sflag:s8] =	dma.local @!p0 [hbm:s6], $0xF7A  }
0x23: {  	s9 =	sor.u32 $0xD0000000, s2;
	s6 =	simm.s32 $0x108;
	_ =	swait.ge @!p0 [sflag:s8], $0x0  }
0x24: {  	s3 =	sadd.s32 $0x88, s3;
	s6 =	simm.s32 @!p1 $0x1082;
	[sflag:s4] =	ssyncset.s32 $0xFFFFF086  }
0x25: {  	[simem:s6], [sflag:s4] =	dma.local [hbm:s3], $0xF7A  }
0x26: {  	[smem:$0x3F9C] =	sst s1;
	(tag) =	ssettag s2;
	_ =	strace s9  }
0x27: {  	s1 =	sld [smem:$0x3FAC]  }
0x28: {  	s2 =	sld [smem:$0x3FAD]  }
0x29: {  	s4 =	sld [smem:$0x3FAF]  }
0x2a: {  	p0 =	seq.s32 s5, $0x0;
	s5 =	sld [smem:$0x3FB0]  }
0x2b: {  	s6 =	sld [smem:$0x3FB1]  }
0x2c: {  	s7 =	sld [smem:$0x3FB2]  }
0x2d: {  	s3 =	simm.s32 $0x108;
	s8 =	sld [smem:$0x3FB3]  }
0x2e: {  	s3 =	simm.s32 @!p0 $0x1082;
	s9 =	sld [smem:$0x3FB4]  }
0x2f: {  	lr =	sadd.s32 s0, s3;
	s0 =	sld [smem:$0x3FAB]  }
0x30: {  	s3 =	sld [smem:$0x3FAE]  }
0x31: {  	[smem:$0x3FB7] =	sst s10  }
0x32: {  	s10 =	sld [smem:$0x3FB5];
	_ =	sdelay $0x3  }
0x33: {  	p0 =	seq.s32 s10, $0x1;
	s10 =	sld [smem:$0x3FB7];
	_ =	sdelay $0x3  }
0x34: {  	[smem:$0x3FB7] =	sst s10  }
0x35: {  	s10 =	sld [smem:$0x3FB6];
	_ =	sdelay $0x3  }
0x36: {  	p1 =	seq.s32 s10, $0x1;
	s10 =	sld [smem:$0x3FB7];
	_ =	sdelay $0x3  }
0x37: {  	[smem:$0x3FB7] =	sst s10  }
0x38: {  	s10 =	sld [smem:$0x3FB8]  }
0x39: {  	_ = 	snop;
	(pc) =	sbr.ind lr, $3  }
0x3a: {  	_ = 	snop  }
0x3b: {  	_ = 	snop  }
0x3c: {  	p2 =	seq.s32 s10, $0x1;
	s10 =	sld [smem:$0x3FB7]  }
0x3d: {  	_ =	shalt  }
0x3e: {  	_ =	shalt  }
0x3f: {  	_ =	shalt  }
0x40: {  	_ =	shalt  }
0x41: {  	_ =	shalt  }
0x42: {  	_ =	shalt  }
0x43: {  	_ =	shalt  }
0x44: {  	_ =	shalt  }
0x45: {  	_ =	shalt  }
0x46: {  	_ =	shalt  }
0x47: {  	_ =	shalt  }
0x48: {  	_ =	shalt  }
0x49: {  	_ =	shalt  }
0x4a: {  	_ =	shalt  }
0x4b: {  	_ =	shalt  }
0x4c: {  	_ =	shalt  }
0x4d: {  	_ =	shalt  }
0x4e: {  	_ =	shalt  }
0x4f: {  	_ =	shalt  }
0x50: {  	_ =	shalt  }
0x51: {  	_ =	shalt  }
0x52: {  	_ =	shalt  }
0x53: {  	_ =	shalt  }
0x54: {  	_ =	shalt  }
0x55: {  	_ =	shalt  }
0x56: {  	_ =	shalt  }
0x57: {  	_ =	shalt  }
0x58: {  	_ =	shalt  }
0x59: {  	_ =	shalt  }
0x5a: {  	_ =	shalt  }
0x5b: {  	_ =	shalt  }
0x5c: {  	_ =	shalt  }
0x5d: {  	_ =	shalt  }
0x5e: {  	_ =	shalt  }
0x5f: {  	_ =	shalt  }
0x60: {  	_ =	shalt  }
0x61: {  	_ =	shalt  }
0x62: {  	_ =	shalt  }
0x63: {  	_ =	shalt  }
0x64: {  	_ =	shalt  }
0x65: {  	_ =	shalt  }
0x66: {  	_ =	shalt  }
0x67: {  	_ =	shalt  }
0x68: {  	_ =	shalt  }
0x69: {  	_ =	shalt  }
0x6a: {  	_ =	shalt  }
0x6b: {  	_ =	shalt  }
0x6c: {  	_ =	shalt  }
0x6d: {  	_ =	shalt  }
0x6e: {  	_ =	shalt  }
0x6f: {  	_ =	shalt  }
0x70: {  	_ =	shalt  }
0x71: {  	_ =	shalt  }
0x72: {  	_ =	shalt  }
0x73: {  	_ =	shalt  }
0x74: {  	_ =	shalt  }
0x75: {  	_ =	shalt  }
0x76: {  	_ =	shalt  }
0x77: {  	_ =	shalt  }
0x78: {  	_ =	shalt  }
0x79: {  	_ =	shalt  }
0x7a: {  	_ =	shalt  }
0x7b: {  	_ =	shalt  }
0x7c: {  	_ =	shalt  }
0x7d: {  	_ =	shalt  }
0x7e: {  	_ =	shalt  }
0x7f: {  	_ =	shalt  }
0x80: {  	_ =	shalt  }
0x81: {  	_ =	shalt  }
0x82: {  	_ =	shalt  }
0x83: {  	_ =	shalt  }
0x84: {  	_ =	shalt  }
0x85: {  	_ =	shalt  }
0x86: {  	_ =	shalt  }
0x87: {  	_ =	shalt  }
.Lfunc_end0:
.L_simem_size_0:
called_computation_lowered:
.L_overlay_start_0:
0x88: {  	s2 =	sld [smem:$0x3FD9]  }
0x89: {  	s3 =	sld [smem:$0x3FFE];
	_ =	sdelay $0x1  }
0x8a: {  	s1 =	srdreg.scid  }
0x8b: {  	s0 =	sand.u32 $0x1, s1  }
0x8c: {  	s17 =	sshll.u32 s0, $0xA;
	s2 =	sadd.s32 s3, s2  }
0x8d: {  	s2 =	sadd.s32 s2, s17  }
0x8e: {  	[smem:$0x3FC3] =	sst s2  }
0x8f: {  	_ = 	snop  }
0x90: {  	s2 =	sld [smem:$0x3FC8]  }
0x91: {  	s18 =	sld [smem:$0x3FC7]  }
0x92: {  	s4 =	sld [smem:$0x3FC5];
	(tm) =	ssettm $0x1  }
0x93: {  	s5 =	sld [smem:$0x3FFB];
	_ =	sdelay $0x3  }
0x94: {  	_ =	strace s5  }
0x95: {  	s5 =	sld [smem:$0x3FFC];
	_ =	sdelay $0x3  }
0x96: {  	_ =	strace s5  }
0x97: {  	s5 =	sld [smem:$0x3FFD];
	_ =	sdelay $0x3  }
0x98: {  	_ =	strace s5  }
0x99: {  	_ =	strace $0x8FFFFFFF  }
0x9a: {  	s19 =	sld [smem:$0x3FDB];
	_ =	sdelay $0x1  }
0x9b: {  	s6 =	simm.s32 $_scs_section_size  }
0x9c: {  	s7 =	simm.s32 $_size__tile_overlayer_lowered;
	s8 =	simm.s32 $_tile_overlayer_lowered  }
0x9d: {  	s22 =	simm.s32 $0x1BFF;
	s21 =	sshll.u32 s8, $0x1;
	s5 =	sadd.s32 s6, s19  }
0x9e: {  	s9 =	simm.s32 $0x0;
	s20 =	sshll.u32 s7, $0x1;
	s7 =	sadd.s32 s21, s5  }
0x9f: {  	[timem:s9], [sflag:s22] =	dma.local [hbm:s7], s20  }
0xa0: {  	_ =	swait.ge [sflag:s22], s20  }
0xa1: {  	s6 =	ssub.s32 $0x0, s20;
	[sflag:s22] =	ssyncset.done $0x0  }
0xa2: {  	[sflag:s22] =	ssyncadd.s32 s6;
	_ =	sdelay $0x1  }
0xa3: {  	s23 =	simm.s32 $0x1B8B  }
0xa4: {  	_ =	swait.ge [sflag:s23], $0x1  }
0xa5: {  	[sflag:s23] =	ssyncset.done $0x0  }
0xa6: {  	s25 =	simm.s32 $0x1B8E;
	s24 =	sld [smem:$0x3FFE];
	[sflag:s23] =	ssyncadd.s32 $0xFFFFFFFF  }
0xa7: {  	s26 =	simm.s32 $execute0_lowered;
	[smem:$0x3FD2] =	sst s25  }
0xa8: {  	s7 =	sshll.u32 s26, $0x1;
	_ =	strace $0x80000046;
	[dreg:$0x1] =	wrdreg $0xFFFFFFFF  }
0xa9: {  	s28 =	simm.s32 $_size_execute0_lowered;
	s5 =	sadd.s32 s5, s7;
	[dreg:$0x0] =	wrdreg $0x0  }
0xaa: {  	s7 =	sshll.u32 s28, $0x1;
	[dreg:$0x2] =	wrdreg s5  }
0xab: {  	[dreg:$0x3] =	wrdreg s7  }
0xac: {  	[dreg:$0x4] =	wrdreg $0xC0  }
0xad: {  	_ =	task [dreg:s9], $0x5FFFF  }
0xae: {  	[dreg:$0x1] =	wrdreg $0xFFFFFFFF  }
0xaf: {  	[dreg:$0x0] =	wrdreg $0x60  }
0xb0: {  	[dreg:$0x2] =	wrdreg s2  }
0xb1: {  	[dreg:$0x3] =	wrdreg s18  }
0xb2: {  	[dreg:$0x4] =	wrdreg s4  }
0xb3: {  	[dreg:$0x5] =	wrdreg s24  }
0xb4: {  	[dreg:$0x6] =	wrdreg $0x9  }
0xb5: {  	_ =	task.clear_ibuf [dreg:s9], $0x7FFFF;
	_ =	strace $0x90000046  }
0xb6: {  	s29 =	simm.s32 $0x9;
	_ =	strace $0x80000048  }
0xb7: {  	_ =	swait.ge [sflag:s29], $0x1  }
0xb8: {  	[sflag:s29] =	ssyncadd.s32 $0xFFFFFFFF  }
0xb9: {  	_ =	strace $0x90000048  }
0xba: {  	_ =	sfence  }
0xbb: {  	s30 =	sld [smem:$0x0];
	_ =	sdelay $0x2  }
0xbc: {  	s31 =	sshll.u32 s1, $0xD;
	s1 =	sshrl.u32 s1, $0x2  }
0xbd: {  	s3 =	sand.u32 $0x4000, s31;
	s1 =	sadd.s32 s1, s30  }
0xbe: {  	s0 =	sor.u32 s3, s0;
	s1 =	sshll.u32 s1, $0x11  }
0xbf: {  	s0 =	sor.u32 s1, s0  }
0xc0: {  	s0 =	sadd.s32 $0x8F2B, s0  }
0xc1: {  	[sflag:s0] =	ssyncadd.remote.s32 $0x1  }
0xc2: {  	_ =	sfence.sel $0xFFFF  }
0xc3: {  	[dreg:$0x0] =	wrdreg $0xFFFFFFFF;
	(pc) =	sbr.abs _section_cstart, $3  }
0xc4: {  	[dreg:$0x1] =	wrdreg $0xFFFFFFFF  }
0xc5: {  	_ =	task.clear_ibuf [dreg:s9], $0x2FFFF;
	_ =	strace $0x9FFFFFFF  }
0xc6: {  	(tm) =	ssettm $0x7FFFFFFF  }
0xc7: {  	_ =	shalt  }
tec
execute0_lowered:
.L_overlay_start_1:
0x0: {  	(tag) =	ssettag $0x1  }
0x1: {  	s1 =	srdreg.scid  }
0x2: {  	s6 =	sand.u32 $0x1, s1;
	s1 =	stileid.u32  }
0x3: {  	s7 =	sshll.u32 s1, $0x1;
	s8 =	ssub.s32 $0x0, s6  }
0x4: {  	p0 =	sne.s32 s7, s8  }
.Ltmp0:
0x5: {  	s0 =	rddreg [dreg:$0x0];
	(pc) =	sbr.rel @p0 .LBB2_5-.Ltmp0, $4  }
0x6: {  	s2 =	rddreg [dreg:$0x1]  }
0x7: {  	s4 =	rddreg [dreg:$0x2]  }
0x8: {  	s5 =	rddreg [dreg:$0x3]  }
0x9: {  	s3 =	rddreg [dreg:$0x4];
	_ =	strace $0x80000047  }
0xa: {  	s6 =	ssub.s32 $0x2, s6;
	s5 =	sadd.s32 $0xA00, s5;
	s8 =	simm.s32 $0x8000  }
0xb: {  	s9 =	simm.s32 $0x9000;
	s10 =	simm.s32 $0x1;
	s7 =	sshrl.u32 s6, $0x1  }
0xc: {  	v0 =	vlaneseq.u32;
	s11 =	simm.s32 $0x9400;
	s12 =	simm.s32 $0x2;
	s6 =	ssub.s32 s6, s7  }
0xd: {  	v1 =	vimm.s32 $0x0;
	vm0 =	vcmask $0x300;
	vm1 =	vcmask $0x704;
	s13 =	simm.s32 $0x0;
	s7 =	simm.s32 $0x0;
	s6 =	smax.u32 s6, $0x1  }
.LBB2_2:
0xe: {  	v2 =	vor.u32 s7, v0  }
0xf: {  	vm2 =	vgt.u32 v2, $0x18;
	vm3 =	vgt.u32 v2, $0x31  }
0x10: {  	vm4 =	vgt.u32 v2, $0x4A;
	v3 =	vsel vm2, $0x1, v1;
	v4 =	vsel vm3, $0x1, v1  }
0x11: {  	vm2 =	vgt.u32 v2, $0x63;
	v3 =	vadd.s32 v4, v3;
	v4 =	vsel vm4, $0x1, v1  }
0x12: {  	vm3 =	vgt.u32 v2, $0x7C;
	v3 =	vadd.s32 v4, v3;
	v4 =	vsel vm2, $0x1, v1  }
0x13: {  	[tilespmem:s7], [sflag:$0x1] =	stream.linear.gather [hbm4b:s0+s7], $0x8000, $0x38;
	v5 =	vsel vm3, $0x1, v1;
	vm2 =	vgt.u32 v2, $0x95;
	v3 =	vadd.s32 v4, v3;
	[tilespmem:$0x9480] =	vst v63  }
0x14: {  	v4 =	vsel vm2, $0x1, v1;
	vm2 =	vgt.u32 v2, $0xAE;
	v3 =	vadd.s32 v5, v3  }
0x15: {  	[tilespmem:s8], [sflag:$0x1] =	stream.linear.gather [hbm4b:s2+s7], $0x1000, $0x38;
	v3 =	vadd.s32 v4, v3;
	v4 =	vsel vm2, $0x1, v1;
	[tilespmem:$0x9480] =	vst v63  }
0x16: {  	v3 =	vadd.s32 v4, v3  }
0x17: {  	[tilespmem:s9], [sflag:$0x1] =	stream.linear.gather [hbm4b:s4+s7], $0x400, $0x38;
	v4 =	vmul.u32 $0xFFFFFFE7, v3;
	[tilespmem:$0x9480] =	vst v63  }
0x18: {  	_ =	swait.ge [sflag:s10], $0x8000  }
0x19: {  	[sflag:s10] =	ssyncset.done $0x0;
	v4 =	vadd.s32 v2, v4  }
0x1a: {  	[sflag:s10] =	ssyncadd.s32 $0xFFFF8000;
	vm2 =	vlt.u32 v2, $0xC8;
	v2 =	vshll.u32 v3, $0x7;
	v5 =	vand.u32 $0xFFFFFF80, v4  }
0x1b: {  	_ =	swait.ge [sflag:s10], $0x1000;
	v4 =	vand.u32 $0x7F, v4;
	v2 =	vadd.s32 v2, v5  }
0x1c: {  	[sflag:s10] =	ssyncset.done $0x0;
	v2 =	vor.u32 v4, v2  }
0x1d: {  	[sflag:s10] =	ssyncadd.s32 $0xFFFFF000  }
0x1e: {  	_ =	swait.ge [sflag:s10], $0x400  }
0x1f: {  	[sflag:s10] =	ssyncset.done $0x0  }
0x20: {  	[sflag:s10] =	ssyncadd.s32 $0xFFFFFC00  }
0x21: {  	s14 =	simm.s32 $0x10;
	v2 =	vld.idx.msk [tilespmem:v2+s9+$0x0], vm2  }
0x22: {  	v6 =	vor.u32 s14, v0;
	v7 =	vshll.u32 v3, $0x9  }
0x23: {  	vm5 =	vgt.u32 v6, $0x95;
	v5 =	vadd.s32 v7, v5  }
0x24: {  	vm6 =	vgt.u32 v6, $0x18;
	vm3 =	vmmov vm2;
	v4 =	vor.u32 v4, v5  }
0x25: {  	vm7 =	vgt.u32 v6, $0x4A;
	vm4 =	vgt.u32 v6, $0x7C;
	v9 =	vadd.s32 $0x100, v4  }
0x26: {  	v8 =	vsel vm6, $0x1, v1;
	vm6 =	vgt.u32 v6, $0x31;
	v7 =	vshll.u32 v2, $0x2  }
0x27: {  	v3 =	vshll.u32 v3, $0xC;
	vm2 =	vgt.u32 v6, $0x63;
	v5 =	vand.u32 $0xFFFFFE00, v7  }
0x28: {  	v2 =	vand.u32 $0x7F, v2;
	v7 =	vadd.s32 $0x80, v4;
	v3 =	vadd.s32 v3, v5  }
0x29: {  	v5 =	vsel vm6, $0x1, v1;
	v2 =	vor.u32 v2, v3;
	v3 =	vadd.s32 $0x180, v4  }
0x2a: {  	v9 =	vld.idx.msk [tilespmem:v9+s8+$0x0], vm3;
	v5 =	vadd.s32 v5, v8;
	v8 =	vsel vm7, $0x1, v1;
	v10 =	vor.u32 $0x100, v2  }
0x2b: {  	v5 =	vadd.s32 v8, v5;
	v8 =	vsel vm2, $0x1, v1;
	v11 =	vor.u32 $0x180, v2  }
0x2c: {  	v12 =	vsel vm4, $0x1, v1;
	v4 =	vld.idx.msk [tilespmem:v4+s8+$0x0], vm3;
	vm2 =	vgt.u32 v6, $0xAE;
	v5 =	vadd.s32 v8, v5  }
0x2d: {  	v8 =	vsel vm5, $0x1, v1;
	v7 =	vld.idx.msk [tilespmem:v7+s8+$0x0], vm3;
	v5 =	vadd.s32 v12, v5;
	v12 =	vor.u32 $0x80, v2  }
0x2e: {  	v5 =	vadd.s32 v8, v5;
	v8 =	vsel vm2, $0x1, v1;
	v3 =	vld.idx.msk [tilespmem:v3+s8+$0x0], vm3  }
0x2f: {  	v13 =	vmul.f32 $5.000000000e-01, v9;
	v5 =	vadd.s32 v8, v5;
	v8 =	vld.idx.msk [tilespmem:v10+s7+$0x0], vm3  }
0x30: {  	v10 =	vmul.u32 $0xFFFFFFE7, v5;
	v11 =	vld.idx.msk [tilespmem:v11+s7+$0x0], vm3  }
0x31: {  	v2 =	vld.idx.msk [tilespmem:v2+s7+$0x0], vm3;
	v17 =	vsub.f32 v4, v13;
	v13 =	vadd.f32 v13, v4  }
0x32: {  	vm2 =	vlt.u32 v6, $0xC8;
	v6 =	vadd.s32 v6, v10;
	v10 =	vld.idx.msk [tilespmem:v12+s7+$0x0], vm3  }
0x33: {  	vm2 =	vmmov vm2;
	v21 =	vsub.f32 v13, v17;
	v15 =	vmul.f32 $5.000000000e-01, v3  }
0x34: {  	v12 =	vshll.u32 v5, $0x7;
	v14 =	vand.u32 $0xFFFFFF80, v6;
	v16 =	vmul.f32 $5.000000000e-01, v8  }
0x35: {  	v6 =	vand.u32 $0x7F, v6;
	v18 =	vmul.f32 $5.000000000e-01, v11;
	v19 =	vsub.f32 v7, v15  }
0x36: {  	v12 =	vadd.s32 v12, v14;
	v15 =	vadd.f32 v15, v7;
	v20 =	vadd.f32 v16, v2  }
0x37: {  	v12 =	vor.u32 v6, v12;
	v16 =	vsub.f32 v2, v16;
	v22 =	vadd.f32 v18, v10  }
0x38: {  	v18 =	vsub.f32 v10, v18;
	v23 =	vsub.f32 v15, v19;
	v24 =	vmax.f32 v20, v13  }
0x39: {  	v25 =	vsub.f32 v20, v16;
	v26 =	vmin.f32 v16, v17;
	v27 =	vmax.f32 v22, v15  }
0x3a: {  	v28 =	vsub.f32 v22, v18;
	v13 =	vmin.f32 v20, v13;
	v16 =	vmax.f32 v16, v17  }
0x3b: {  	v15 =	vmin.f32 v22, v15;
	v17 =	vmax.f32 v18, v19;
	v63 =	vsub.f32 v24, v26  }
0x3c: {  	v13 =	vsub.f32 v13, v16;
	v15 =	vsub.f32 v15, v17;
	v16 =	vmin.f32 v18, v19  }
0x3d: {  	v18 =	vmul.f32 v23, v21;
	v17 =	vmul.f32 v28, v25;
	v16 =	vsub.f32 v27, v16  }
0x3e: {  	v13 =	vmax.f32 v13, $0.0e+00;
	v15 =	vmax.f32 v15, $0.0e+00;
	v19 =	vmax.f32 v63, $0.0e+00  }
0x3f: {  	v13 =	vmul.f32 v15, v13;
	v15 =	vadd.f32 v18, v17;
	v16 =	vmax.f32 v16, $0.0e+00  }
0x40: {  	v4 =	vsub.f32 v2, v4;
	v7 =	vsub.f32 v10, v7;
	v10 =	vmul.f32 v16, v19  }
0x41: {  	vm3 =	vmmov vm3;
	v8 =	vsub.f32 v8, v9;
	v9 =	vsub.f32 v15, v13  }
0x42: {  	v3 =	vsub.f32 v11, v3;
	v4 =	vand.u32 $0x7FFFFFFF, v4;
	v12 =	vld.idx.msk [tilespmem:v12+s9+$0x0], vm2;
	(erf) = vrcp.f32 v10  }
0x43: {  	s31 =	simm.s32 $0x20;
	v2 =	vimm.f32 $0.0e+00;
	v7 =	vand.u32 $0x7FFFFFFF, v7;
	(erf) = vrcp.f32 v9  }
0x44: {  	v8 =	vand.u32 $0x7FFFFFFF, v8;
	v16 =	vor.u32 s31, v0;
	v15 =	vadd.f32 v7, v4  }
0x45: {  	vm5 =	vgt.u32 v16, $0x63;
	vm6 =	vgt.u32 v16, $0x7C;
	vm4 =	vgt.u32 v16, $0x95  }
0x46: {  	vm7 =	vgt.u32 v16, $0x18;
	vm8 =	vgt.u32 v16, $0x4A;
	v4 =	vshll.u32 v5, $0x9  }
0x47: {  	v7 =	vsel vm7, $0x1, v1;
	v4 =	vadd.s32 v4, v14;
	v14 =	vshll.u32 v12, $0x2  }
0x48: {  	vm7 =	vgt.u32 v16, $0x31;
	v4 =	vor.u32 v6, v4;
	v6 =	vand.u32 $0xFFFFFE00, v14  }
0x49: {  	v5 =	vshll.u32 v5, $0xC;
	v11 =	vsel vm7, $0x1, v1;
	v14 =	vadd.s32 $0x80, v4  }
0x4a: {  	v12 =	vand.u32 $0x7F, v12;
	v5 =	vadd.s32 v5, v6;
	v17 =	vadd.s32 $0x100, v4  }
0x4b: {  	v18 =	vadd.s32 $0x180, v4;
	v12 =	vor.u32 v12, v5;
	v5 =	vsub.f32 v10, v9;
	v6 =	vpop (erf)  }
0x4c: {  	v7 =	vadd.s32 v11, v7;
	v9 =	vsel vm8, $0x1, v1;
	v10 =	vor.u32 $0x100, v12;
	v11 =	vpop (erf)  }
0x4d: {  	v19 =	vor.u32 $0x180, v12;
	v11 =	vmul.f32 v11, v13;
	v13 =	vmul.f32 v5, v6;
	v5 =	vld.idx.msk [tilespmem:v4+s8+$0x0], vm2  }
0x4e: {  	v4 =	vadd.s32 v9, v7;
	v7 =	vsel vm5, $0x1, v1;
	v9 =	vsel vm6, $0x1, v1;
	v6 =	vld.idx.msk [tilespmem:v14+s8+$0x0], vm2  }
0x4f: {  	v14 =	vor.u32 $0x80, v12;
	v4 =	vadd.s32 v7, v4;
	v7 =	vld.idx.msk [tilespmem:v17+s8+$0x0], vm2;
	v11 =	vsub.f32 v13, v11  }
0x50: {  	v9 =	vadd.s32 v9, v4;
	v13 =	vsel vm4, $0x1, v1;
	vm4 =	vgt.u32 v16, $0xAE;
	v4 =	vld.idx.msk [tilespmem:v18+s8+$0x0], vm2  }
0x51: {  	v13 =	vadd.s32 v13, v9;
	v17 =	vsel vm4, $0x1, v1;
	v9 =	vld.idx.msk [tilespmem:v10+s7+$0x0], vm2;
	v11 =	vadd.f32 $1.000000000e+00, v11  }
0x52: {  	v3 =	vand.u32 $0x7FFFFFFF, v3;
	v10 =	vadd.f32 v8, v15;
	v8 =	vld.idx.msk [tilespmem:v19+s7+$0x0], vm2;
	v13 =	vadd.s32 v17, v13  }
0x53: {  	vm5 =	vlt.u32 v16, $0xC8;
	v15 =	vmul.u32 $0xFFFFFFE7, v13;
	v17 =	vnsel vm3, $0x0, v11;
	v11 =	vld.idx.msk [tilespmem:v12+s7+$0x0], vm2  }
0x54: {  	v10 =	vadd.f32 v3, v10;
	vm3 =	vmmov vm3;
	v12 =	vld.idx.msk [tilespmem:v14+s7+$0x0], vm2;
	v14 =	vshll.u32 v13, $0x7  }
0x55: {  	s14 =	simm.s32 $0x30;
	v3 =	vadd.f32 v17, v2;
	v16 =	vadd.s32 v16, v15;
	v15 =	vmul.f32 $5.000000000e-01, v7  }
.LBB2_3:
0x56: {  	v17 =	vand.u32 $0xFFFFFF80, v16;
	v16 =	vand.u32 $0x7F, v16  }
0x57: {  	p0 =	sne.s32 s14, $0xC0;
	v18 =	vmul.f32 $5.000000000e-01, v4;
	vm4 =	vmmov vm2;
	vm2 =	vmmov vm5  }
0x58: {  	v19 =	vmul.f32 $5.000000000e-01, v9;
	v20 =	vsub.f32 v5, v15;
	v15 =	vadd.f32 v15, v5  }
0x59: {  	v21 =	vmul.f32 $5.000000000e-01, v8;
	v22 =	vsub.f32 v6, v18;
	v18 =	vadd.f32 v18, v6  }
0x5a: {  	v14 =	vadd.s32 v14, v17;
	v23 =	vadd.f32 v19, v11;
	v24 =	vsub.f32 v15, v20  }
0x5b: {  	v14 =	vor.u32 v16, v14;
	v19 =	vsub.f32 v11, v19;
	v25 =	vadd.f32 v21, v12  }
0x5c: {  	v21 =	vsub.f32 v12, v21;
	v26 =	vsub.f32 v18, v22;
	v27 =	vmax.f32 v23, v15  }
0x5d: {  	v28 =	vsub.f32 v23, v19;
	v29 =	vmin.f32 v19, v20;
	v30 =	vmax.f32 v25, v18  }
0x5e: {  	v15 =	vmin.f32 v23, v15;
	v19 =	vmax.f32 v19, v20;
	v31 =	vsub.f32 v25, v21  }
0x5f: {  	v18 =	vmin.f32 v25, v18;
	v20 =	vmax.f32 v21, v22;
	v23 =	vsub.f32 v27, v29  }
0x60: {  	v15 =	vsub.f32 v15, v19;
	v19 =	vmin.f32 v21, v22;
	v18 =	vsub.f32 v18, v20  }
0x61: {  	v21 =	vmul.f32 v26, v24;
	v19 =	vsub.f32 v30, v19;
	v20 =	vmul.f32 v31, v28  }
0x62: {  	v15 =	vmax.f32 v15, $0.0e+00;
	v22 =	vmax.f32 v23, $0.0e+00;
	v18 =	vmax.f32 v18, $0.0e+00  }
0x63: {  	v19 =	vmax.f32 v19, $0.0e+00;
	v15 =	vmul.f32 v18, v15;
	v18 =	vadd.f32 v21, v20  }
0x64: {  	v5 =	vsub.f32 v11, v5;
	v6 =	vsub.f32 v12, v6;
	v11 =	vmul.f32 v19, v22  }
0x65: {  	v7 =	vsub.f32 v9, v7;
	v10 =	vnsel vm3, $0x0, v10;
	v9 =	vsub.f32 v18, v15  }
0x66: {  	v5 =	vand.u32 $0x7FFFFFFF, v5;
	v6 =	vand.u32 $0x7FFFFFFF, v6;
	v12 =	vld.idx.msk [tilespmem:v14+s9+$0x0], vm2;
	(erf) = vrcp.f32 v11  }
0x67: {  	v18 =	vand.u32 $0x7FFFFFFF, v7;
	v14 =	vadd.f32 v6, v5;
	(erf) = vrcp.f32 v9  }
0x68: {  	v2 =	vadd.f32 v10, v2;
	v19 =	vor.u32 s14, v0;
	v20 =	vsub.f32 v8, v4  }
0x69: {  	vm5 =	vgt.u32 v19, $0x63;
	vm6 =	vgt.u32 v19, $0x7C;
	vm3 =	vgt.u32 v19, $0x95  }
0x6a: {  	v4 =	vshll.u32 v13, $0x9;
	vm7 =	vgt.u32 v19, $0x18;
	vm8 =	vgt.u32 v19, $0x4A  }
0x6b: {  	v4 =	vadd.s32 v4, v17;
	v5 =	vsel vm7, $0x1, v1;
	vm7 =	vgt.u32 v19, $0x31  }
0x6c: {  	v4 =	vor.u32 v16, v4;
	v6 =	vsel vm7, $0x1, v1;
	v7 =	vshll.u32 v12, $0x2  }
0x6d: {  	v8 =	vshll.u32 v13, $0xC;
	v10 =	vadd.s32 $0x80, v4;
	v7 =	vand.u32 $0xFFFFFE00, v7  }
0x6e: {  	v12 =	vand.u32 $0x7F, v12;
	v7 =	vadd.s32 v8, v7;
	v8 =	vadd.s32 $0x100, v4  }
0x6f: {  	v13 =	vadd.s32 $0x180, v4;
	v12 =	vor.u32 v12, v7;
	v7 =	vsub.f32 v11, v9;
	v9 =	vpop (erf)  }
0x70: {  	v6 =	vadd.s32 v6, v5;
	v11 =	vsel vm8, $0x1, v1;
	v16 =	vor.u32 $0x100, v12;
	v17 =	vpop (erf)  }
0x71: {  	v21 =	vor.u32 $0x180, v12;
	v9 =	vmul.f32 v7, v9;
	v5 =	vld.idx.msk [tilespmem:v4+s8+$0x0], vm2;
	v4 =	vmul.f32 v17, v15  }
0x72: {  	v7 =	vadd.s32 v11, v6;
	v11 =	vsel vm5, $0x1, v1;
	v15 =	vsel vm6, $0x1, v1;
	v6 =	vld.idx.msk [tilespmem:v10+s8+$0x0], vm2  }
0x73: {  	v17 =	vor.u32 $0x80, v12;
	v10 =	vadd.s32 v11, v7;
	v7 =	vld.idx.msk [tilespmem:v8+s8+$0x0], vm2;
	v8 =	vsub.f32 v9, v4  }
0x74: {  	v9 =	vadd.s32 v15, v10;
	v10 =	vsel vm3, $0x1, v1;
	vm3 =	vgt.u32 v19, $0xAE;
	v4 =	vld.idx.msk [tilespmem:v13+s8+$0x0], vm2  }
.Ltmp1:
0x75: {  	v10 =	vadd.s32 v10, v9;
	v11 =	vsel vm3, $0x1, v1;
	v9 =	vld.idx.msk [tilespmem:v16+s7+$0x0], vm2;
	v15 =	vadd.f32 $1.000000000e+00, v8;
	(pc) =	sbr.rel @p0 .LBB2_3-.Ltmp1, $4  }
0x76: {  	v13 =	vadd.s32 v11, v10;
	v10 =	vadd.f32 v18, v14;
	v14 =	vand.u32 $0x7FFFFFFF, v20;
	v8 =	vld.idx.msk [tilespmem:v21+s7+$0x0], vm2  }
0x77: {  	vm3 =	vmmov vm4;
	v16 =	vmul.u32 $0xFFFFFFE7, v13;
	v11 =	vld.idx.msk [tilespmem:v12+s7+$0x0], vm2;
	v15 =	vnsel vm4, $0x0, v15  }
0x78: {  	vm5 =	vlt.u32 v19, $0xC8;
	v10 =	vadd.f32 v14, v10;
	v12 =	vld.idx.msk [tilespmem:v17+s7+$0x0], vm2;
	v3 =	vadd.f32 v15, v3  }
0x79: {  	s14 =	sadd.s32 $0x10, s14;
	v14 =	vshll.u32 v13, $0x7;
	v16 =	vadd.s32 v19, v16;
	v15 =	vmul.f32 $5.000000000e-01, v7  }
0x7a: {  	v17 =	vand.u32 $0xFFFFFF80, v16  }
0x7b: {  	v36 =	vand.u32 $0x7F, v16;
	v14 =	vadd.s32 v14, v17  }
0x7c: {  	v14 =	vor.u32 v36, v14;
	_ =	sdelay $0x4  }
0x7d: {  	vm4 =	vmmov vm5;
	v18 =	vmul.f32 $5.000000000e-01, v4;
	v14 =	vld.idx.msk [tilespmem:v14+s9+$0x0], vm5  }
0x7e: {  	v19 =	vmul.f32 $5.000000000e-01, v9;
	v25 =	vshll.u32 v13, $0x9;
	v39 =	vshll.u32 v13, $0xC  }
0x7f: {  	v20 =	vsub.f32 v5, v15;
	v37 =	vadd.f32 v15, v5;
	v21 =	vmul.f32 $5.000000000e-01, v8  }
0x80: {  	v17 =	vadd.s32 v25, v17;
	v22 =	vsub.f32 v6, v18;
	v18 =	vadd.f32 v18, v6  }
0x81: {  	v23 =	vadd.f32 v19, v11;
	v19 =	vsub.f32 v11, v19;
	v16 =	vor.u32 v36, v17  }
0x82: {  	v24 =	vsub.f32 v37, v20;
	v26 =	vadd.f32 v21, v12;
	v38 =	vshll.u32 v14, $0x2  }
0x83: {  	v21 =	vsub.f32 v12, v21;
	v41 =	vadd.s32 $0x80, v16;
	v40 =	vand.u32 $0xFFFFFE00, v38  }
0x84: {  	v42 =	vadd.s32 $0x100, v16;
	v14 =	vand.u32 $0x7F, v14;
	v13 =	vadd.s32 v39, v40  }
0x85: {  	v43 =	vadd.s32 $0x180, v16;
	v27 =	vsub.f32 v18, v22;
	v13 =	vor.u32 v14, v13  }
0x86: {  	v28 =	vmax.f32 v23, v37;
	v29 =	vsub.f32 v23, v19;
	v30 =	vor.u32 $0x100, v13  }
0x87: {  	v31 =	vmin.f32 v19, v20;
	v15 =	vmin.f32 v23, v37;
	v19 =	vmax.f32 v19, v20;
	v16 =	vld.idx.msk [tilespmem:v16+s8+$0x0], vm5  }
0x88: {  	v32 =	vsub.f32 v26, v21;
	v44 =	vmin.f32 v26, v18;
	v23 =	vld.idx.msk [tilespmem:v41+s8+$0x0], vm5;
	v33 =	vor.u32 $0x180, v13  }
0x89: {  	v45 =	vmax.f32 v21, v22;
	v28 =	vsub.f32 v28, v31;
	v18 =	vmax.f32 v26, v18;
	v17 =	vld.idx.msk [tilespmem:v42+s8+$0x0], vm5  }
0x8a: {  	v15 =	vsub.f32 v15, v19;
	v47 =	vsub.f32 v44, v45;
	v14 =	vld.idx.msk [tilespmem:v43+s8+$0x0], vm5;
	v46 =	vor.u32 $0x80, v13  }
0x8b: {  	v48 =	vmin.f32 v21, v22;
	v50 =	vmul.f32 v27, v24;
	v49 =	vmul.f32 v32, v29;
	v24 =	vld.idx.msk [tilespmem:v30+s7+$0x0], vm5  }
0x8c: {  	v18 =	vsub.f32 v18, v48;
	v15 =	vmax.f32 v15, $0.0e+00;
	v19 =	vmax.f32 v47, $0.0e+00;
	v13 =	vld.idx.msk [tilespmem:v13+s7+$0x0], vm4  }
0x8d: {  	v15 =	vmul.f32 v19, v15;
	v51 =	vadd.f32 v50, v49;
	v20 =	vld.idx.msk [tilespmem:v33+s7+$0x0], vm4  }
0x8e: {  	v52 =	vmax.f32 v28, $0.0e+00;
	v18 =	vmax.f32 v18, $0.0e+00;
	v54 =	vmul.f32 $5.000000000e-01, v17  }
0x8f: {  	v18 =	vmul.f32 v18, v52;
	v19 =	vsub.f32 v51, v15;
	v55 =	vmul.f32 $5.000000000e-01, v14;
	v53 =	vld.idx.msk [tilespmem:v46+s7+$0x0], vm4  }
0x90: {  	v57 =	vsub.f32 v16, v54;
	v25 =	vadd.f32 v54, v16;
	v56 =	vmul.f32 $5.000000000e-01, v24  }
0x91: {  	(erf) = vrcp.f32 v18;
	v59 =	vsub.f32 v23, v55;
	v21 =	vadd.f32 v55, v23  }
0x92: {  	v61 =	vsub.f32 v25, v57;
	v58 =	vmul.f32 $5.000000000e-01, v20;
	v60 =	vadd.f32 v56, v13  }
0x93: {  	(erf) = vrcp.f32 v19;
	v63 =	vsub.f32 v21, v59;
	v26 =	vsub.f32 v13, v56  }
0x94: {  	v62 =	vadd.f32 v58, v53;
	v28 =	vsub.f32 v53, v58;
	v34 =	vmax.f32 v60, v25  }
0x95: {  	v35 =	vsub.f32 v60, v26;
	v25 =	vmin.f32 v60, v25;
	v36 =	vmin.f32 v26, v57  }
0x96: {  	v26 =	vmax.f32 v26, v57;
	v37 =	vmax.f32 v62, v21;
	v21 =	vmin.f32 v62, v21  }
0x97: {  	v32 =	vsub.f32 v62, v28;
	v38 =	vmax.f32 v28, v59;
	v30 =	vsub.f32 v34, v36  }
0x98: {  	v39 =	vmin.f32 v28, v59;
	v25 =	vsub.f32 v25, v26;
	v21 =	vsub.f32 v21, v38  }
0x99: {  	v41 =	vmul.f32 v63, v61;
	v26 =	vsub.f32 v37, v39;
	v40 =	vmul.f32 v32, v35  }
0x9a: {  	v25 =	vmax.f32 v25, $0.0e+00;
	v21 =	vmax.f32 v21, $0.0e+00;
	v42 =	vmax.f32 v30, $0.0e+00  }
0x9b: {  	v26 =	vmax.f32 v26, $0.0e+00;
	v21 =	vmul.f32 v21, v25;
	v43 =	vadd.f32 v41, v40  }
0x9c: {  	v26 =	vmul.f32 v26, v42  }
0x9d: {  	v25 =	vsub.f32 v43, v21  }
0x9e: {  	v44 =	vsub.f32 v11, v5;
	v45 =	vsub.f32 v12, v6;
	(erf) = vrcp.f32 v26  }
0x9f: {  	v47 =	vpop (erf);
	(erf) = vrcp.f32 v25  }
0xa0: {  	v7 =	vsub.f32 v9, v7;
	v5 =	vand.u32 $0x7FFFFFFF, v44;
	v6 =	vand.u32 $0x7FFFFFFF, v45  }
0xa1: {  	v10 =	vnsel vm3, $0x0, v10;
	v5 =	vadd.f32 v6, v5  }
0xa2: {  	v2 =	vadd.f32 v10, v2;
	v7 =	vand.u32 $0x7FFFFFFF, v7;
	v50 =	vsub.f32 v8, v4  }
0xa3: {  	vm2 =	vmmov vm2;
	v5 =	vadd.f32 v7, v5;
	v46 =	vsub.f32 v18, v19  }
0xa4: {  	v4 =	vand.u32 $0x7FFFFFFF, v50;
	v48 =	vpop (erf);
	v52 =	vsub.f32 v13, v16;
	v53 =	vsub.f32 v53, v23  }
0xa5: {  	v4 =	vadd.f32 v4, v5;
	v49 =	vmul.f32 v48, v15;
	v11 =	vmul.f32 v46, v47  }
0xa6: {  	v54 =	vsub.f32 v24, v17;
	v8 =	vand.u32 $0x7FFFFFFF, v52;
	v9 =	vand.u32 $0x7FFFFFFF, v53  }
0xa7: {  	vm3 =	vmmov vm2;
	v8 =	vadd.f32 v9, v8;
	v55 =	vsub.f32 v26, v25;
	v56 =	vpop (erf)  }
0xa8: {  	v51 =	vsub.f32 v11, v49;
	v58 =	vsub.f32 v20, v14;
	v57 =	vand.u32 $0x7FFFFFFF, v54;
	v59 =	vpop (erf)  }
0xa9: {  	v5 =	vadd.f32 v57, v8;
	v9 =	vmul.f32 v55, v56;
	v11 =	vmul.f32 v59, v21  }
0xaa: {  	v4 =	vnsel vm3, $0x0, v4;
	v6 =	vadd.f32 $1.000000000e+00, v51;
	v7 =	vand.u32 $0x7FFFFFFF, v58  }
0xab: {  	vm4 =	vmmov vm4;
	v5 =	vadd.f32 v7, v5;
	v60 =	vsub.f32 v9, v11  }
0xac: {  	v2 =	vadd.f32 v4, v2;
	vm3 =	vmmov vm4  }
0xad: {  	v61 =	vnsel vm2, $0x0, v6;
	v5 =	vnsel vm3, $0x0, v5;
	v62 =	vadd.f32 $1.000000000e+00, v60  }
0xae: {  	v3 =	vadd.f32 v61, v3;
	v2 =	vadd.f32 v5, v2  }
0xaf: {  	v63 =	vnsel vm4, $0x0, v62  }
0xb0: {  	(xrf2) =	vadd.scan.msk.f32 $0xffff, v2;
	v3 =	vadd.f32 v63, v3;
	_ =	sdelay $0x1  }
0xb1: {  	(xrf2) =	vadd.scan.msk.f32 $0xffff, v3;
	_ =	sdelay $0x7  }
0xb2: {  	v2, _, _ =	vpop (xrf2)  }
0xb3: {  	(v2sf) =	vpush v2, $0xF  }
0xb4: {  	v2, _, _ =	vpop (xrf2)  }
0xb5: {  	(v2sf) =	vpush v2, $0xF;
	_ =	sdelay $0xc  }
0xb6: {  	s14 =	spop (v2sf)  }
0xb7: {  	s14 =	smul.f32 $4.999999890e-03, s14  }
0xb8: {  	s15 =	spop (v2sf)  }
0xb9: {  	v2 =	vmov s14;
	s15 =	smul.f32 $4.999999890e-03, s15  }
0xba: {  	s13 =	sadd.s32 $0x1, s13;
	v2 =	vnsel vm0, $0x0, v2  }
0xbb: {  	p0 =	sne.s32 s13, s6;
	v2 =	vsel vm1, s15, v2  }
.Ltmp2:
0xbc: {  	[tilespmem:$0x9400] =	vst v2;
	(pc) =	sbr.rel @p0 .LBB2_2-.Ltmp2, $4  }
0xbd: {  	[hbm4b:s5+s7] =	stream.linear.scatter [tilespmem:s11], [sflag:$0x2], $0x80, $0x38;
	[tilespmem:$0x9480] =	vst v63  }
0xbe: {  	_ =	swait.ge [sflag:s12], $0x80  }
0xbf: {  	[sflag:s12] =	ssyncset.done $0x0  }
0xc0: {  	[sflag:s12] =	ssyncadd.s32 $0xFFFFFF80  }
.LBB2_5:
0xc1: {  	_ =	sfence.sel $0x180000  }
0xc2: {  	[bflag:$0x0] =	sbarrier.arrive $0xFFFF  }
0xc3: {  	p0 =	sne.s32 s1, $0x0;
	_ =	strace $0x90000047  }
0xc4: {  	s0 =	sadd.s32 @!p0 $0x100000, s3;
	[bflag:$0x2] =	sbarrier.arrive $0xFFFF  }
0xc5: {  	[sflag:s0] =	ssyncadd.tile.s32 @!p0 $0x1;
	_ =	shalt  }
.Lfunc_end2:
_tile_overlayer_lowered:
.L_overlay_start_2:
0xc6: {  	(tag) =	ssettag $0x2  }
0xc7: {  	s0 =	rddreg [dreg:$0x0];
	s2 =	stileid.u32  }
0xc8: {  	s1 =	rddreg [dreg:$0x1];
	p0 =	sne.s32 s2, $0x0  }
0xc9: {  	s3 =	rddreg [dreg:$0x2];
	[bflag:$0x3] =	sbarrier.arrive $0xFFFF;
	s2 =	simm.s32 @!p0 $0x1C02  }
0xca: {  	[timem:s3], [sflag:s2] =	dma.local @!p0 [hbm:s0], s1  }
0xcb: {  	s0 =	simm.s32 @!p0 $0x2  }
0xcc: {  	_ =	swait.ge @!p0 [sflag:s0], s1  }
0xcd: {  	s1 =	ssub.s32 @!p0 $0x0, s1;
	[sflag:s0] =	ssyncset.done @!p0 $0x0  }
0xce: {  	[sflag:s0] =	ssyncadd.s32 @!p0 s1  }
0xcf: {  	[bflag:$0x3] =	sbarrier.arrive $0xFFFF  }
0xd0: {  	_ =	shalt  }

</sc_bundles>
